<compile_context>
chip_gen: v7x
topology: tpu7x:2x2x1
jax: 0.10.2.dev20260603
libtpu: 0.0.44.dev20260713+nightly
codegen_flags: <defaults>
</compile_context>

<pallas_src>
import functools

import jax
import jax.numpy as jnp
from jax import lax
from jax.experimental import pallas as pl
from jax.experimental.pallas import tpu as pltpu
from jax.experimental.pallas import tpu_sc as plsc

_NC, _NS = 2, 16
_NW = _NC * _NS
_B, _N, _F = 256, 128, 9
_FANIN = _F + 2
_H = 128
_CHUNK = 32
_NCHUNK = _N // _CHUNK
_GPW = _B // _NW
_ROWS_OUT = _B * (_N + 1)


def _sc_embed(table, idx, token):
    mesh = plsc.VectorSubcoreMesh(core_axis_name="c", subcore_axis_name="s",
                                  num_cores=_NC, num_subcores=_NS)

    @functools.partial(
        pl.kernel,
        out_type=jax.ShapeDtypeStruct((_ROWS_OUT, _H), jnp.float32),
        mesh=mesh,
        compiler_params=pltpu.CompilerParams(use_tc_tiling_on_sc=False),
        scratch_types=[
            pltpu.VMEM((_NCHUNK, _FANIN, _CHUNK), jnp.int32),
            pltpu.VMEM((_FANIN, _CHUNK, _H), jnp.float32),
            pltpu.VMEM((_CHUNK, _H), jnp.float32),
            pltpu.VMEM((1, _H), jnp.float32),
            pltpu.SemaphoreType.DMA,
        ],
    )
    def k(table_hbm, idx_hbm, token_hbm, out_hbm, idx_v, gath, outc, tok_v, sem):
        wid = lax.axis_index("s") * _NC + lax.axis_index("c")
        pltpu.sync_copy(token_hbm, tok_v)

        @pl.loop(0, _GPW)
        def _graph(gl):
            g = wid * _GPW + gl
            pltpu.sync_copy(idx_hbm.at[g], idx_v)
            pltpu.sync_copy(tok_v, out_hbm.at[pl.ds(g * (_N + 1), 1)])

            @pl.loop(0, _NCHUNK)
            def _chunk(c):
                for j in range(_FANIN):
                    pltpu.async_copy(table_hbm.at[idx_v.at[c, j]], gath.at[j], sem)
                for j in range(_FANIN):
                    pltpu.make_async_copy(
                        table_hbm.at[idx_v.at[c, j]], gath.at[j], sem).wait()

                @pl.loop(0, _CHUNK)
                def _node(i):
                    for col in range(_H // 16):
                        sl = pl.ds(col * 16, 16)
                        acc = gath[0, i, sl]
                        for j in range(1, _FANIN):
                            acc = acc + gath[j, i, sl]
                        outc[i, sl] = acc

                pltpu.sync_copy(
                    outc, out_hbm.at[pl.ds(g * (_N + 1) + 1 + c * _CHUNK, _CHUNK)])

    return k(table, idx, token)


def kernel(x, in_degree, out_degree, atom_w, in_deg_w, out_deg_w, graph_token_w):
    table = jnp.concatenate([atom_w, in_deg_w, out_deg_w], axis=0)
    na = atom_w.shape[0]
    ndi = in_deg_w.shape[0]
    xi = x.astype(jnp.int32)
    ii = (in_degree + na).astype(jnp.int32)
    oi = (out_degree + na + ndi).astype(jnp.int32)
    allidx = jnp.concatenate([xi, ii[..., None], oi[..., None]], axis=-1)
    idx = allidx.reshape(_B, _NCHUNK, _CHUNK, _FANIN).transpose(0, 1, 3, 2)
    out = _sc_embed(table, idx, graph_token_w)
    return out.reshape(_B, _N + 1, _H)

# --- scband reference (transcript-rebuilt; emitter-appended) ---
"""Pipeline reference for scband-graph-node-feature-29652454212052 (READ-ONLY COPY).

The authoritative reference and input builder live on the scoring server;
editing this copy changes nothing except your own understanding.
"""

import jax, jax.numpy as jnp
import numpy as np

NUM_ATOM = 4608
MAX_IN_DEG = 512
MAX_OUT_DEG = 512
HIDDEN = 128
B, N, F = 256, 128, 9


def setup_inputs(seed: int = 0) -> dict:
    key = jax.random.key(seed)
    k1, k2, k3, k4, k5, k6, k7 = [jax.random.fold_in(key, i) for i in range(7)]
    x = jax.random.randint(k1, (B, N, F), 0, NUM_ATOM + 1, dtype=jnp.int64 if jax.config.jax_enable_x64 else jnp.int32)
    in_degree = jax.random.randint(k2, (B, N), 0, MAX_IN_DEG, dtype=x.dtype)
    out_degree = jax.random.randint(k3, (B, N), 0, MAX_OUT_DEG, dtype=x.dtype)
    atom_w = jax.random.normal(k4, (NUM_ATOM + 1, HIDDEN), dtype=jnp.float32) * 0.02
    atom_w = atom_w.at[0].set(0.0)  # padding_idx=0
    in_deg_w = jax.random.normal(k5, (MAX_IN_DEG, HIDDEN), dtype=jnp.float32) * 0.02
    in_deg_w = in_deg_w.at[0].set(0.0)
    out_deg_w = jax.random.normal(k6, (MAX_OUT_DEG, HIDDEN), dtype=jnp.float32) * 0.02
    out_deg_w = out_deg_w.at[0].set(0.0)
    graph_token_w = jax.random.normal(k7, (1, HIDDEN), dtype=jnp.float32) * 0.02
    return {"x": x, "in_degree": in_degree, "out_degree": out_degree,
            "atom_w": atom_w, "in_deg_w": in_deg_w, "out_deg_w": out_deg_w,
            "graph_token_w": graph_token_w}


def reference(x, in_degree, out_degree, atom_w, in_deg_w, out_deg_w, graph_token_w):
    n_graphs = x.shape[0]
    node_feature = jnp.take(atom_w, x, axis=0).sum(axis=-2)  # [B, N, D]
    node_feature = node_feature + jnp.take(in_deg_w, in_degree, axis=0) + jnp.take(out_deg_w, out_degree, axis=0)
    graph_token_feature = jnp.broadcast_to(graph_token_w[None, :, :], (n_graphs, 1, graph_token_w.shape[-1]))
    graph_node_feature = jnp.concatenate([graph_token_feature, node_feature], axis=1)
    return graph_node_feature

if __name__ == "__main__":
    import jax
    _d = setup_inputs()
    print(jax.jit(kernel)(*tuple(_d.values())))

</pallas_src>

<mosaic_0001>
#map = affine_map<(d0, d1) -> (0, 0)>
#map1 = affine_map<(d0, d1) -> (0, 0, 0, 0)>
module attributes {stable_mosaic.version = 14 : i64} {
  func.func @k(%arg0: i32, %arg1: i32, %arg2: memref<5633x128xf32, #tpu.memory_space<hbm>>, %arg3: memref<256x4x11x32xi32, #tpu.memory_space<hbm>>, %arg4: memref<1x128xf32, #tpu.memory_space<hbm>>, %arg5: memref<33024x128xf32, #tpu.memory_space<hbm>>, %arg6: memref<4x11x32xi32, #tpu.memory_space<vmem>>, %arg7: memref<11x32x128xf32, #tpu.memory_space<vmem>>, %arg8: memref<32x128xf32, #tpu.memory_space<vmem>>, %arg9: memref<1x128xf32, #tpu.memory_space<vmem>>, %arg10: memref<!tpu.dma_semaphore, #tpu.memory_space<semaphore_mem>>) attributes {dimension_semantics = [#tpu.dimension_semantics<core_parallel>, #tpu.dimension_semantics<subcore_parallel>], iteration_bounds = array<i64: 2, 16>, scalar_prefetch = 0 : i64, scratch_operands = 5 : i64, tpu.core_type = #tpu.core_type<sc_vector_subcore>, window_params = [{transform_indices = #map}, {transform_indices = #map1}, {transform_indices = #map}, {transform_indices = #map}]} {
    %mul3A = arith.constant 2 : i32
    %mul3A_0 = arith.muli %arg1, %mul3A : i32
    %add3A = arith.addi %mul3A_0, %arg0 : i32
    "tpu.region"() ({
      %run_scoped3A = tpu.sem_alloc : memref<!tpu.dma_semaphore, #tpu.memory_space<semaphore_mem>>
      tpu.enqueue_dma source(%arg4 : memref<1x128xf32, #tpu.memory_space<hbm>>) target(%arg9 : memref<1x128xf32, #tpu.memory_space<vmem>>) target_semaphore(%run_scoped3A : memref<!tpu.dma_semaphore, #tpu.memory_space<semaphore_mem>>)
      tpu.wait_dma2 semaphore(%run_scoped3A : memref<!tpu.dma_semaphore, #tpu.memory_space<semaphore_mem>>) src(%arg4 : memref<1x128xf32, #tpu.memory_space<hbm>>) dst(%arg9 : memref<1x128xf32, #tpu.memory_space<vmem>>)
      tpu.yield
    }) : () -> ()
    %scan3A = arith.constant 0 : i32
    %scan3A_1 = arith.constant 8 : i32
    %scan3A_2 = arith.addi %scan3A, %scan3A_1 : i32
    %scan3A_3 = arith.constant 1 : i32
    scf.for %scan3A_5 = %scan3A to %scan3A_2 step %scan3A_3  : i32 {
      %mul3A_6 = arith.constant 1 : i32
      %mul3A_7 = arith.muli %scan3A_5, %mul3A_6 : i32
      %add3A_8 = arith.constant 0 : i32
      %add3A_9 = arith.addi %add3A_8, %mul3A_7 : i32
      %mul3A_10 = arith.constant 8 : i32
      %mul3A_11 = arith.muli %add3A, %mul3A_10 : i32
      %add3A_12 = arith.addi %mul3A_11, %add3A_9 : i32
      "tpu.region"() ({
        %run_scoped3A = tpu.sem_alloc : memref<!tpu.dma_semaphore, #tpu.memory_space<semaphore_mem>>
        %dma_start3A = arith.constant 0 : i32
        %dma_start3A_20 = arith.constant 0 : i32
        %dma_start3A_21 = arith.constant 0 : i32
        %dma_start3A_22 = tpu.memref_slice %arg3[%add3A_12, %dma_start3A, %dma_start3A_20, %dma_start3A_21] : memref<256x4x11x32xi32, #tpu.memory_space<hbm>> -> memref<1x4x11x32xi32, #tpu.memory_space<hbm>>
        %dma_start3A_23 = tpu.memref_squeeze %dma_start3A_22 : memref<1x4x11x32xi32, #tpu.memory_space<hbm>> -> memref<4x11x32xi32, #tpu.memory_space<hbm>>
        %dma_start3A_24 = arith.constant 0 : i32
        %dma_start3A_25 = arith.constant 0 : i32
        %dma_start3A_26 = arith.constant 0 : i32
        %dma_start3A_27 = tpu.memref_slice %arg3[%add3A_12, %dma_start3A_24, %dma_start3A_25, %dma_start3A_26] : memref<256x4x11x32xi32, #tpu.memory_space<hbm>> -> memref<1x4x11x32xi32, #tpu.memory_space<hbm>>
        %dma_start3A_28 = tpu.memref_squeeze %dma_start3A_27 : memref<1x4x11x32xi32, #tpu.memory_space<hbm>> -> memref<4x11x32xi32, #tpu.memory_space<hbm>>
        tpu.enqueue_dma source(%dma_start3A_28 : memref<4x11x32xi32, #tpu.memory_space<hbm>>) target(%arg6 : memref<4x11x32xi32, #tpu.memory_space<vmem>>) target_semaphore(%run_scoped3A : memref<!tpu.dma_semaphore, #tpu.memory_space<semaphore_mem>>)
        %dma_wait3A = arith.constant 0 : i32
        %dma_wait3A_29 = arith.constant 0 : i32
        %dma_wait3A_30 = arith.constant 0 : i32
        %dma_wait3A_31 = tpu.memref_slice %arg3[%add3A_12, %dma_wait3A, %dma_wait3A_29, %dma_wait3A_30] : memref<256x4x11x32xi32, #tpu.memory_space<hbm>> -> memref<1x4x11x32xi32, #tpu.memory_space<hbm>>
        %dma_wait3A_32 = tpu.memref_squeeze %dma_wait3A_31 : memref<1x4x11x32xi32, #tpu.memory_space<hbm>> -> memref<4x11x32xi32, #tpu.memory_space<hbm>>
        %dma_wait3A_33 = arith.constant 0 : i32
        %dma_wait3A_34 = arith.constant 0 : i32
        %dma_wait3A_35 = arith.constant 0 : i32
        %dma_wait3A_36 = tpu.memref_slice %arg3[%add3A_12, %dma_wait3A_33, %dma_wait3A_34, %dma_wait3A_35] : memref<256x4x11x32xi32, #tpu.memory_space<hbm>> -> memref<1x4x11x32xi32, #tpu.memory_space<hbm>>
        %dma_wait3A_37 = tpu.memref_squeeze %dma_wait3A_36 : memref<1x4x11x32xi32, #tpu.memory_space<hbm>> -> memref<4x11x32xi32, #tpu.memory_space<hbm>>
        tpu.wait_dma2 semaphore(%run_scoped3A : memref<!tpu.dma_semaphore, #tpu.memory_space<semaphore_mem>>) src(%dma_wait3A_37 : memref<4x11x32xi32, #tpu.memory_space<hbm>>) dst(%arg6 : memref<4x11x32xi32, #tpu.memory_space<vmem>>)
        tpu.yield
      }) : () -> ()
      %mul3A_13 = arith.constant 129 : i32
      %mul3A_14 = arith.muli %add3A_12, %mul3A_13 : i32
      "tpu.region"() ({
        %run_scoped3A = tpu.sem_alloc : memref<!tpu.dma_semaphore, #tpu.memory_space<semaphore_mem>>
        %dma_start3A = arith.constant 0 : i32
        %dma_start3A_20 = tpu.memref_slice %arg5[%mul3A_14, %dma_start3A] : memref<33024x128xf32, #tpu.memory_space<hbm>> -> memref<1x128xf32, #tpu.memory_space<hbm>>
        %dma_start3A_21 = arith.constant 0 : i32
        %dma_start3A_22 = tpu.memref_slice %arg5[%mul3A_14, %dma_start3A_21] : memref<33024x128xf32, #tpu.memory_space<hbm>> -> memref<1x128xf32, #tpu.memory_space<hbm>>
        tpu.enqueue_dma source(%arg9 : memref<1x128xf32, #tpu.memory_space<vmem>>) target(%dma_start3A_22 : memref<1x128xf32, #tpu.memory_space<hbm>>) target_semaphore(%run_scoped3A : memref<!tpu.dma_semaphore, #tpu.memory_space<semaphore_mem>>)
        %dma_wait3A = arith.constant 0 : i32
        %dma_wait3A_23 = tpu.memref_slice %arg5[%mul3A_14, %dma_wait3A] : memref<33024x128xf32, #tpu.memory_space<hbm>> -> memref<1x128xf32, #tpu.memory_space<hbm>>
        %dma_wait3A_24 = arith.constant 0 : i32
        %dma_wait3A_25 = tpu.memref_slice %arg5[%mul3A_14, %dma_wait3A_24] : memref<33024x128xf32, #tpu.memory_space<hbm>> -> memref<1x128xf32, #tpu.memory_space<hbm>>
        tpu.wait_dma2 semaphore(%run_scoped3A : memref<!tpu.dma_semaphore, #tpu.memory_space<semaphore_mem>>) src(%arg9 : memref<1x128xf32, #tpu.memory_space<vmem>>) dst(%dma_wait3A_25 : memref<1x128xf32, #tpu.memory_space<hbm>>)
        tpu.yield
      }) : () -> ()
      %scan3A_15 = arith.constant 0 : i32
      %scan3A_16 = arith.constant 4 : i32
      %scan3A_17 = arith.addi %scan3A_15, %scan3A_16 : i32
      %scan3A_18 = arith.constant 1 : i32
      scf.for %scan3A_20 = %scan3A_15 to %scan3A_17 step %scan3A_18  : i32 {
        %mul3A_21 = arith.constant 1 : i32
        %mul3A_22 = arith.muli %scan3A_20, %mul3A_21 : i32
        %add3A_23 = arith.constant 0 : i32
        %add3A_24 = arith.addi %add3A_23, %mul3A_22 : i32
        %dma_start3A = arith.constant 0 : i32
        %dma_start3A_25 = arith.constant 0 : i32
        %dma_start3A_26 = arith.constant 0 : i32
        %dma_start3A_27 = arith.constant 0 : i32
        %dma_start3A_28 = tpu.memref_slice %arg7[%dma_start3A_25, %dma_start3A_26, %dma_start3A_27] : memref<11x32x128xf32, #tpu.memory_space<vmem>> -> memref<1x32x128xf32, #tpu.memory_space<vmem>>
        %dma_start3A_29 = tpu.memref_squeeze %dma_start3A_28 : memref<1x32x128xf32, #tpu.memory_space<vmem>> -> memref<32x128xf32, #tpu.memory_space<vmem>>
        %dma_start3A_30 = arith.constant 0 : i32
        %dma_start3A_31 = tpu.memref_slice %arg6[%add3A_24, %dma_start3A, %dma_start3A_30] : memref<4x11x32xi32, #tpu.memory_space<vmem>> -> memref<1x1x32xi32, #tpu.memory_space<vmem>>
        %dma_start3A_32 = tpu.memref_squeeze %dma_start3A_31 : memref<1x1x32xi32, #tpu.memory_space<vmem>> -> memref<32xi32, #tpu.memory_space<vmem>>
        %dma_start3A_33 = arith.constant 0 : i32
        %dma_start3A_34 = arith.constant 0 : i32
        %dma_start3A_35 = tpu.memref_slice %arg2[%dma_start3A_33, %dma_start3A_34] : memref<5633x128xf32, #tpu.memory_space<hbm>> -> memref<5633x128xf32, #tpu.memory_space<hbm>>
        tpu.enqueue_indirect_dma source(%dma_start3A_35 : memref<5633x128xf32, #tpu.memory_space<hbm>>) target(%dma_start3A_29 : memref<32x128xf32, #tpu.memory_space<vmem>>) offsets(%dma_start3A_32 : memref<32xi32, #tpu.memory_space<vmem>>) semaphore(%arg10 : memref<!tpu.dma_semaphore, #tpu.memory_space<semaphore_mem>>)
        %dma_start3A_36 = arith.constant 1 : i32
        %dma_start3A_37 = arith.constant 1 : i32
        %dma_start3A_38 = arith.constant 0 : i32
        %dma_start3A_39 = arith.constant 0 : i32
        %dma_start3A_40 = tpu.memref_slice %arg7[%dma_start3A_37, %dma_start3A_38, %dma_start3A_39] : memref<11x32x128xf32, #tpu.memory_space<vmem>> -> memref<1x32x128xf32, #tpu.memory_space<vmem>>
        %dma_start3A_41 = tpu.memref_squeeze %dma_start3A_40 : memref<1x32x128xf32, #tpu.memory_space<vmem>> -> memref<32x128xf32, #tpu.memory_space<vmem>>
        %dma_start3A_42 = arith.constant 0 : i32
        %dma_start3A_43 = tpu.memref_slice %arg6[%add3A_24, %dma_start3A_36, %dma_start3A_42] : memref<4x11x32xi32, #tpu.memory_space<vmem>> -> memref<1x1x32xi32, #tpu.memory_space<vmem>>
        %dma_start3A_44 = tpu.memref_squeeze %dma_start3A_43 : memref<1x1x32xi32, #tpu.memory_space<vmem>> -> memref<32xi32, #tpu.memory_space<vmem>>
        %dma_start3A_45 = arith.constant 0 : i32
        %dma_start3A_46 = arith.constant 0 : i32
        %dma_start3A_47 = tpu.memref_slice %arg2[%dma_start3A_45, %dma_start3A_46] : memref<5633x128xf32, #tpu.memory_space<hbm>> -> memref<5633x128xf32, #tpu.memory_space<hbm>>
        tpu.enqueue_indirect_dma source(%dma_start3A_47 : memref<5633x128xf32, #tpu.memory_space<hbm>>) target(%dma_start3A_41 : memref<32x128xf32, #tpu.memory_space<vmem>>) offsets(%dma_start3A_44 : memref<32xi32, #tpu.memory_space<vmem>>) semaphore(%arg10 : memref<!tpu.dma_semaphore, #tpu.memory_space<semaphore_mem>>)
        %dma_start3A_48 = arith.constant 2 : i32
        %dma_start3A_49 = arith.constant 2 : i32
        %dma_start3A_50 = arith.constant 0 : i32
        %dma_start3A_51 = arith.constant 0 : i32
        %dma_start3A_52 = tpu.memref_slice %arg7[%dma_start3A_49, %dma_start3A_50, %dma_start3A_51] : memref<11x32x128xf32, #tpu.memory_space<vmem>> -> memref<1x32x128xf32, #tpu.memory_space<vmem>>
        %dma_start3A_53 = tpu.memref_squeeze %dma_start3A_52 : memref<1x32x128xf32, #tpu.memory_space<vmem>> -> memref<32x128xf32, #tpu.memory_space<vmem>>
        %dma_start3A_54 = arith.constant 0 : i32
        %dma_start3A_55 = tpu.memref_slice %arg6[%add3A_24, %dma_start3A_48, %dma_start3A_54] : memref<4x11x32xi32, #tpu.memory_space<vmem>> -> memref<1x1x32xi32, #tpu.memory_space<vmem>>
        %dma_start3A_56 = tpu.memref_squeeze %dma_start3A_55 : memref<1x1x32xi32, #tpu.memory_space<vmem>> -> memref<32xi32, #tpu.memory_space<vmem>>
        %dma_start3A_57 = arith.constant 0 : i32
        %dma_start3A_58 = arith.constant 0 : i32
        %dma_start3A_59 = tpu.memref_slice %arg2[%dma_start3A_57, %dma_start3A_58] : memref<5633x128xf32, #tpu.memory_space<hbm>> -> memref<5633x128xf32, #tpu.memory_space<hbm>>
        tpu.enqueue_indirect_dma source(%dma_start3A_59 : memref<5633x128xf32, #tpu.memory_space<hbm>>) target(%dma_start3A_53 : memref<32x128xf32, #tpu.memory_space<vmem>>) offsets(%dma_start3A_56 : memref<32xi32, #tpu.memory_space<vmem>>) semaphore(%arg10 : memref<!tpu.dma_semaphore, #tpu.memory_space<semaphore_mem>>)
        %dma_start3A_60 = arith.constant 3 : i32
        %dma_start3A_61 = arith.constant 3 : i32
        %dma_start3A_62 = arith.constant 0 : i32
        %dma_start3A_63 = arith.constant 0 : i32
        %dma_start3A_64 = tpu.memref_slice %arg7[%dma_start3A_61, %dma_start3A_62, %dma_start3A_63] : memref<11x32x128xf32, #tpu.memory_space<vmem>> -> memref<1x32x128xf32, #tpu.memory_space<vmem>>
        %dma_start3A_65 = tpu.memref_squeeze %dma_start3A_64 : memref<1x32x128xf32, #tpu.memory_space<vmem>> -> memref<32x128xf32, #tpu.memory_space<vmem>>
        %dma_start3A_66 = arith.constant 0 : i32
        %dma_start3A_67 = tpu.memref_slice %arg6[%add3A_24, %dma_start3A_60, %dma_start3A_66] : memref<4x11x32xi32, #tpu.memory_space<vmem>> -> memref<1x1x32xi32, #tpu.memory_space<vmem>>
        %dma_start3A_68 = tpu.memref_squeeze %dma_start3A_67 : memref<1x1x32xi32, #tpu.memory_space<vmem>> -> memref<32xi32, #tpu.memory_space<vmem>>
        %dma_start3A_69 = arith.constant 0 : i32
        %dma_start3A_70 = arith.constant 0 : i32
        %dma_start3A_71 = tpu.memref_slice %arg2[%dma_start3A_69, %dma_start3A_70] : memref<5633x128xf32, #tpu.memory_space<hbm>> -> memref<5633x128xf32, #tpu.memory_space<hbm>>
        tpu.enqueue_indirect_dma source(%dma_start3A_71 : memref<5633x128xf32, #tpu.memory_space<hbm>>) target(%dma_start3A_65 : memref<32x128xf32, #tpu.memory_space<vmem>>) offsets(%dma_start3A_68 : memref<32xi32, #tpu.memory_space<vmem>>) semaphore(%arg10 : memref<!tpu.dma_semaphore, #tpu.memory_space<semaphore_mem>>)
        %dma_start3A_72 = arith.constant 4 : i32
        %dma_start3A_73 = arith.constant 4 : i32
        %dma_start3A_74 = arith.constant 0 : i32
        %dma_start3A_75 = arith.constant 0 : i32
        %dma_start3A_76 = tpu.memref_slice %arg7[%dma_start3A_73, %dma_start3A_74, %dma_start3A_75] : memref<11x32x128xf32, #tpu.memory_space<vmem>> -> memref<1x32x128xf32, #tpu.memory_space<vmem>>
        %dma_start3A_77 = tpu.memref_squeeze %dma_start3A_76 : memref<1x32x128xf32, #tpu.memory_space<vmem>> -> memref<32x128xf32, #tpu.memory_space<vmem>>
        %dma_start3A_78 = arith.constant 0 : i32
        %dma_start3A_79 = tpu.memref_slice %arg6[%add3A_24, %dma_start3A_72, %dma_start3A_78] : memref<4x11x32xi32, #tpu.memory_space<vmem>> -> memref<1x1x32xi32, #tpu.memory_space<vmem>>
        %dma_start3A_80 = tpu.memref_squeeze %dma_start3A_79 : memref<1x1x32xi32, #tpu.memory_space<vmem>> -> memref<32xi32, #tpu.memory_space<vmem>>
        %dma_start3A_81 = arith.constant 0 : i32
        %dma_start3A_82 = arith.constant 0 : i32
        %dma_start3A_83 = tpu.memref_slice %arg2[%dma_start3A_81, %dma_start3A_82] : memref<5633x128xf32, #tpu.memory_space<hbm>> -> memref<5633x128xf32, #tpu.memory_space<hbm>>
        tpu.enqueue_indirect_dma source(%dma_start3A_83 : memref<5633x128xf32, #tpu.memory_space<hbm>>) target(%dma_start3A_77 : memref<32x128xf32, #tpu.memory_space<vmem>>) offsets(%dma_start3A_80 : memref<32xi32, #tpu.memory_space<vmem>>) semaphore(%arg10 : memref<!tpu.dma_semaphore, #tpu.memory_space<semaphore_mem>>)
        %dma_start3A_84 = arith.constant 5 : i32
        %dma_start3A_85 = arith.constant 5 : i32
        %dma_start3A_86 = arith.constant 0 : i32
        %dma_start3A_87 = arith.constant 0 : i32
        %dma_start3A_88 = tpu.memref_slice %arg7[%dma_start3A_85, %dma_start3A_86, %dma_start3A_87] : memref<11x32x128xf32, #tpu.memory_space<vmem>> -> memref<1x32x128xf32, #tpu.memory_space<vmem>>
        %dma_start3A_89 = tpu.memref_squeeze %dma_start3A_88 : memref<1x32x128xf32, #tpu.memory_space<vmem>> -> memref<32x128xf32, #tpu.memory_space<vmem>>
        %dma_start3A_90 = arith.constant 0 : i32
        %dma_start3A_91 = tpu.memref_slice %arg6[%add3A_24, %dma_start3A_84, %dma_start3A_90] : memref<4x11x32xi32, #tpu.memory_space<vmem>> -> memref<1x1x32xi32, #tpu.memory_space<vmem>>
        %dma_start3A_92 = tpu.memref_squeeze %dma_start3A_91 : memref<1x1x32xi32, #tpu.memory_space<vmem>> -> memref<32xi32, #tpu.memory_space<vmem>>
        %dma_start3A_93 = arith.constant 0 : i32
        %dma_start3A_94 = arith.constant 0 : i32
        %dma_start3A_95 = tpu.memref_slice %arg2[%dma_start3A_93, %dma_start3A_94] : memref<5633x128xf32, #tpu.memory_space<hbm>> -> memref<5633x128xf32, #tpu.memory_space<hbm>>
        tpu.enqueue_indirect_dma source(%dma_start3A_95 : memref<5633x128xf32, #tpu.memory_space<hbm>>) target(%dma_start3A_89 : memref<32x128xf32, #tpu.memory_space<vmem>>) offsets(%dma_start3A_92 : memref<32xi32, #tpu.memory_space<vmem>>) semaphore(%arg10 : memref<!tpu.dma_semaphore, #tpu.memory_space<semaphore_mem>>)
        %dma_start3A_96 = arith.constant 6 : i32
        %dma_start3A_97 = arith.constant 6 : i32
        %dma_start3A_98 = arith.constant 0 : i32
        %dma_start3A_99 = arith.constant 0 : i32
        %dma_start3A_100 = tpu.memref_slice %arg7[%dma_start3A_97, %dma_start3A_98, %dma_start3A_99] : memref<11x32x128xf32, #tpu.memory_space<vmem>> -> memref<1x32x128xf32, #tpu.memory_space<vmem>>
        %dma_start3A_101 = tpu.memref_squeeze %dma_start3A_100 : memref<1x32x128xf32, #tpu.memory_space<vmem>> -> memref<32x128xf32, #tpu.memory_space<vmem>>
        %dma_start3A_102 = arith.constant 0 : i32
        %dma_start3A_103 = tpu.memref_slice %arg6[%add3A_24, %dma_start3A_96, %dma_start3A_102] : memref<4x11x32xi32, #tpu.memory_space<vmem>> -> memref<1x1x32xi32, #tpu.memory_space<vmem>>
        %dma_start3A_104 = tpu.memref_squeeze %dma_start3A_103 : memref<1x1x32xi32, #tpu.memory_space<vmem>> -> memref<32xi32, #tpu.memory_space<vmem>>
        %dma_start3A_105 = arith.constant 0 : i32
        %dma_start3A_106 = arith.constant 0 : i32
        %dma_start3A_107 = tpu.memref_slice %arg2[%dma_start3A_105, %dma_start3A_106] : memref<5633x128xf32, #tpu.memory_space<hbm>> -> memref<5633x128xf32, #tpu.memory_space<hbm>>
        tpu.enqueue_indirect_dma source(%dma_start3A_107 : memref<5633x128xf32, #tpu.memory_space<hbm>>) target(%dma_start3A_101 : memref<32x128xf32, #tpu.memory_space<vmem>>) offsets(%dma_start3A_104 : memref<32xi32, #tpu.memory_space<vmem>>) semaphore(%arg10 : memref<!tpu.dma_semaphore, #tpu.memory_space<semaphore_mem>>)
        %dma_start3A_108 = arith.constant 7 : i32
        %dma_start3A_109 = arith.constant 7 : i32
        %dma_start3A_110 = arith.constant 0 : i32
        %dma_start3A_111 = arith.constant 0 : i32
        %dma_start3A_112 = tpu.memref_slice %arg7[%dma_start3A_109, %dma_start3A_110, %dma_start3A_111] : memref<11x32x128xf32, #tpu.memory_space<vmem>> -> memref<1x32x128xf32, #tpu.memory_space<vmem>>
        %dma_start3A_113 = tpu.memref_squeeze %dma_start3A_112 : memref<1x32x128xf32, #tpu.memory_space<vmem>> -> memref<32x128xf32, #tpu.memory_space<vmem>>
        %dma_start3A_114 = arith.constant 0 : i32
        %dma_start3A_115 = tpu.memref_slice %arg6[%add3A_24, %dma_start3A_108, %dma_start3A_114] : memref<4x11x32xi32, #tpu.memory_space<vmem>> -> memref<1x1x32xi32, #tpu.memory_space<vmem>>
        %dma_start3A_116 = tpu.memref_squeeze %dma_start3A_115 : memref<1x1x32xi32, #tpu.memory_space<vmem>> -> memref<32xi32, #tpu.memory_space<vmem>>
        %dma_start3A_117 = arith.constant 0 : i32
        %dma_start3A_118 = arith.constant 0 : i32
        %dma_start3A_119 = tpu.memref_slice %arg2[%dma_start3A_117, %dma_start3A_118] : memref<5633x128xf32, #tpu.memory_space<hbm>> -> memref<5633x128xf32, #tpu.memory_space<hbm>>
        tpu.enqueue_indirect_dma source(%dma_start3A_119 : memref<5633x128xf32, #tpu.memory_space<hbm>>) target(%dma_start3A_113 : memref<32x128xf32, #tpu.memory_space<vmem>>) offsets(%dma_start3A_116 : memref<32xi32, #tpu.memory_space<vmem>>) semaphore(%arg10 : memref<!tpu.dma_semaphore, #tpu.memory_space<semaphore_mem>>)
        %dma_start3A_120 = arith.constant 8 : i32
        %dma_start3A_121 = arith.constant 8 : i32
        %dma_start3A_122 = arith.constant 0 : i32
        %dma_start3A_123 = arith.constant 0 : i32
        %dma_start3A_124 = tpu.memref_slice %arg7[%dma_start3A_121, %dma_start3A_122, %dma_start3A_123] : memref<11x32x128xf32, #tpu.memory_space<vmem>> -> memref<1x32x128xf32, #tpu.memory_space<vmem>>
        %dma_start3A_125 = tpu.memref_squeeze %dma_start3A_124 : memref<1x32x128xf32, #tpu.memory_space<vmem>> -> memref<32x128xf32, #tpu.memory_space<vmem>>
        %dma_start3A_126 = arith.constant 0 : i32
        %dma_start3A_127 = tpu.memref_slice %arg6[%add3A_24, %dma_start3A_120, %dma_start3A_126] : memref<4x11x32xi32, #tpu.memory_space<vmem>> -> memref<1x1x32xi32, #tpu.memory_space<vmem>>
        %dma_start3A_128 = tpu.memref_squeeze %dma_start3A_127 : memref<1x1x32xi32, #tpu.memory_space<vmem>> -> memref<32xi32, #tpu.memory_space<vmem>>
        %dma_start3A_129 = arith.constant 0 : i32
        %dma_start3A_130 = arith.constant 0 : i32
        %dma_start3A_131 = tpu.memref_slice %arg2[%dma_start3A_129, %dma_start3A_130] : memref<5633x128xf32, #tpu.memory_space<hbm>> -> memref<5633x128xf32, #tpu.memory_space<hbm>>
        tpu.enqueue_indirect_dma source(%dma_start3A_131 : memref<5633x128xf32, #tpu.memory_space<hbm>>) target(%dma_start3A_125 : memref<32x128xf32, #tpu.memory_space<vmem>>) offsets(%dma_start3A_128 : memref<32xi32, #tpu.memory_space<vmem>>) semaphore(%arg10 : memref<!tpu.dma_semaphore, #tpu.memory_space<semaphore_mem>>)
        %dma_start3A_132 = arith.constant 9 : i32
        %dma_start3A_133 = arith.constant 9 : i32
        %dma_start3A_134 = arith.constant 0 : i32
        %dma_start3A_135 = arith.constant 0 : i32
        %dma_start3A_136 = tpu.memref_slice %arg7[%dma_start3A_133, %dma_start3A_134, %dma_start3A_135] : memref<11x32x128xf32, #tpu.memory_space<vmem>> -> memref<1x32x128xf32, #tpu.memory_space<vmem>>
        %dma_start3A_137 = tpu.memref_squeeze %dma_start3A_136 : memref<1x32x128xf32, #tpu.memory_space<vmem>> -> memref<32x128xf32, #tpu.memory_space<vmem>>
        %dma_start3A_138 = arith.constant 0 : i32
        %dma_start3A_139 = tpu.memref_slice %arg6[%add3A_24, %dma_start3A_132, %dma_start3A_138] : memref<4x11x32xi32, #tpu.memory_space<vmem>> -> memref<1x1x32xi32, #tpu.memory_space<vmem>>
        %dma_start3A_140 = tpu.memref_squeeze %dma_start3A_139 : memref<1x1x32xi32, #tpu.memory_space<vmem>> -> memref<32xi32, #tpu.memory_space<vmem>>
        %dma_start3A_141 = arith.constant 0 : i32
        %dma_start3A_142 = arith.constant 0 : i32
        %dma_start3A_143 = tpu.memref_slice %arg2[%dma_start3A_141, %dma_start3A_142] : memref<5633x128xf32, #tpu.memory_space<hbm>> -> memref<5633x128xf32, #tpu.memory_space<hbm>>
        tpu.enqueue_indirect_dma source(%dma_start3A_143 : memref<5633x128xf32, #tpu.memory_space<hbm>>) target(%dma_start3A_137 : memref<32x128xf32, #tpu.memory_space<vmem>>) offsets(%dma_start3A_140 : memref<32xi32, #tpu.memory_space<vmem>>) semaphore(%arg10 : memref<!tpu.dma_semaphore, #tpu.memory_space<semaphore_mem>>)
        %dma_start3A_144 = arith.constant 10 : i32
        %dma_start3A_145 = arith.constant 10 : i32
        %dma_start3A_146 = arith.constant 0 : i32
        %dma_start3A_147 = arith.constant 0 : i32
        %dma_start3A_148 = tpu.memref_slice %arg7[%dma_start3A_145, %dma_start3A_146, %dma_start3A_147] : memref<11x32x128xf32, #tpu.memory_space<vmem>> -> memref<1x32x128xf32, #tpu.memory_space<vmem>>
        %dma_start3A_149 = tpu.memref_squeeze %dma_start3A_148 : memref<1x32x128xf32, #tpu.memory_space<vmem>> -> memref<32x128xf32, #tpu.memory_space<vmem>>
        %dma_start3A_150 = arith.constant 0 : i32
        %dma_start3A_151 = tpu.memref_slice %arg6[%add3A_24, %dma_start3A_144, %dma_start3A_150] : memref<4x11x32xi32, #tpu.memory_space<vmem>> -> memref<1x1x32xi32, #tpu.memory_space<vmem>>
        %dma_start3A_152 = tpu.memref_squeeze %dma_start3A_151 : memref<1x1x32xi32, #tpu.memory_space<vmem>> -> memref<32xi32, #tpu.memory_space<vmem>>
        %dma_start3A_153 = arith.constant 0 : i32
        %dma_start3A_154 = arith.constant 0 : i32
        %dma_start3A_155 = tpu.memref_slice %arg2[%dma_start3A_153, %dma_start3A_154] : memref<5633x128xf32, #tpu.memory_space<hbm>> -> memref<5633x128xf32, #tpu.memory_space<hbm>>
        tpu.enqueue_indirect_dma source(%dma_start3A_155 : memref<5633x128xf32, #tpu.memory_space<hbm>>) target(%dma_start3A_149 : memref<32x128xf32, #tpu.memory_space<vmem>>) offsets(%dma_start3A_152 : memref<32xi32, #tpu.memory_space<vmem>>) semaphore(%arg10 : memref<!tpu.dma_semaphore, #tpu.memory_space<semaphore_mem>>)
        %dma_wait3A = arith.constant 0 : i32
        %dma_wait3A_156 = arith.constant 0 : i32
        %dma_wait3A_157 = arith.constant 0 : i32
        %dma_wait3A_158 = arith.constant 0 : i32
        %dma_wait3A_159 = tpu.memref_slice %arg7[%dma_wait3A_156, %dma_wait3A_157, %dma_wait3A_158] : memref<11x32x128xf32, #tpu.memory_space<vmem>> -> memref<1x32x128xf32, #tpu.memory_space<vmem>>
        %dma_wait3A_160 = tpu.memref_squeeze %dma_wait3A_159 : memref<1x32x128xf32, #tpu.memory_space<vmem>> -> memref<32x128xf32, #tpu.memory_space<vmem>>
        %dma_wait3A_161 = arith.constant 0 : i32
        %dma_wait3A_162 = tpu.memref_slice %arg6[%add3A_24, %dma_wait3A, %dma_wait3A_161] : memref<4x11x32xi32, #tpu.memory_space<vmem>> -> memref<1x1x32xi32, #tpu.memory_space<vmem>>
        %dma_wait3A_163 = tpu.memref_squeeze %dma_wait3A_162 : memref<1x1x32xi32, #tpu.memory_space<vmem>> -> memref<32xi32, #tpu.memory_space<vmem>>
        %dma_wait3A_164 = arith.constant 0 : i32
        %dma_wait3A_165 = arith.constant 0 : i32
        %dma_wait3A_166 = tpu.memref_slice %arg2[%dma_wait3A_164, %dma_wait3A_165] : memref<5633x128xf32, #tpu.memory_space<hbm>> -> memref<5633x128xf32, #tpu.memory_space<hbm>>
        tpu.wait_indirect_dma semaphore(%arg10 : memref<!tpu.dma_semaphore, #tpu.memory_space<semaphore_mem>>) src(%dma_wait3A_166 : memref<5633x128xf32, #tpu.memory_space<hbm>>) dst(%dma_wait3A_160 : memref<32x128xf32, #tpu.memory_space<vmem>>)
        %dma_wait3A_167 = arith.constant 1 : i32
        %dma_wait3A_168 = arith.constant 1 : i32
        %dma_wait3A_169 = arith.constant 0 : i32
        %dma_wait3A_170 = arith.constant 0 : i32
        %dma_wait3A_171 = tpu.memref_slice %arg7[%dma_wait3A_168, %dma_wait3A_169, %dma_wait3A_170] : memref<11x32x128xf32, #tpu.memory_space<vmem>> -> memref<1x32x128xf32, #tpu.memory_space<vmem>>
        %dma_wait3A_172 = tpu.memref_squeeze %dma_wait3A_171 : memref<1x32x128xf32, #tpu.memory_space<vmem>> -> memref<32x128xf32, #tpu.memory_space<vmem>>
        %dma_wait3A_173 = arith.constant 0 : i32
        %dma_wait3A_174 = tpu.memref_slice %arg6[%add3A_24, %dma_wait3A_167, %dma_wait3A_173] : memref<4x11x32xi32, #tpu.memory_space<vmem>> -> memref<1x1x32xi32, #tpu.memory_space<vmem>>
        %dma_wait3A_175 = tpu.memref_squeeze %dma_wait3A_174 : memref<1x1x32xi32, #tpu.memory_space<vmem>> -> memref<32xi32, #tpu.memory_space<vmem>>
        %dma_wait3A_176 = arith.constant 0 : i32
        %dma_wait3A_177 = arith.constant 0 : i32
        %dma_wait3A_178 = tpu.memref_slice %arg2[%dma_wait3A_176, %dma_wait3A_177] : memref<5633x128xf32, #tpu.memory_space<hbm>> -> memref<5633x128xf32, #tpu.memory_space<hbm>>
        tpu.wait_indirect_dma semaphore(%arg10 : memref<!tpu.dma_semaphore, #tpu.memory_space<semaphore_mem>>) src(%dma_wait3A_178 : memref<5633x128xf32, #tpu.memory_space<hbm>>) dst(%dma_wait3A_172 : memref<32x128xf32, #tpu.memory_space<vmem>>)
        %dma_wait3A_179 = arith.constant 2 : i32
        %dma_wait3A_180 = arith.constant 2 : i32
        %dma_wait3A_181 = arith.constant 0 : i32
        %dma_wait3A_182 = arith.constant 0 : i32
        %dma_wait3A_183 = tpu.memref_slice %arg7[%dma_wait3A_180, %dma_wait3A_181, %dma_wait3A_182] : memref<11x32x128xf32, #tpu.memory_space<vmem>> -> memref<1x32x128xf32, #tpu.memory_space<vmem>>
        %dma_wait3A_184 = tpu.memref_squeeze %dma_wait3A_183 : memref<1x32x128xf32, #tpu.memory_space<vmem>> -> memref<32x128xf32, #tpu.memory_space<vmem>>
        %dma_wait3A_185 = arith.constant 0 : i32
        %dma_wait3A_186 = tpu.memref_slice %arg6[%add3A_24, %dma_wait3A_179, %dma_wait3A_185] : memref<4x11x32xi32, #tpu.memory_space<vmem>> -> memref<1x1x32xi32, #tpu.memory_space<vmem>>
        %dma_wait3A_187 = tpu.memref_squeeze %dma_wait3A_186 : memref<1x1x32xi32, #tpu.memory_space<vmem>> -> memref<32xi32, #tpu.memory_space<vmem>>
        %dma_wait3A_188 = arith.constant 0 : i32
        %dma_wait3A_189 = arith.constant 0 : i32
        %dma_wait3A_190 = tpu.memref_slice %arg2[%dma_wait3A_188, %dma_wait3A_189] : memref<5633x128xf32, #tpu.memory_space<hbm>> -> memref<5633x128xf32, #tpu.memory_space<hbm>>
        tpu.wait_indirect_dma semaphore(%arg10 : memref<!tpu.dma_semaphore, #tpu.memory_space<semaphore_mem>>) src(%dma_wait3A_190 : memref<5633x128xf32, #tpu.memory_space<hbm>>) dst(%dma_wait3A_184 : memref<32x128xf32, #tpu.memory_space<vmem>>)
        %dma_wait3A_191 = arith.constant 3 : i32
        %dma_wait3A_192 = arith.constant 3 : i32
        %dma_wait3A_193 = arith.constant 0 : i32
        %dma_wait3A_194 = arith.constant 0 : i32
        %dma_wait3A_195 = tpu.memref_slice %arg7[%dma_wait3A_192, %dma_wait3A_193, %dma_wait3A_194] : memref<11x32x128xf32, #tpu.memory_space<vmem>> -> memref<1x32x128xf32, #tpu.memory_space<vmem>>
        %dma_wait3A_196 = tpu.memref_squeeze %dma_wait3A_195 : memref<1x32x128xf32, #tpu.memory_space<vmem>> -> memref<32x128xf32, #tpu.memory_space<vmem>>
        %dma_wait3A_197 = arith.constant 0 : i32
        %dma_wait3A_198 = tpu.memref_slice %arg6[%add3A_24, %dma_wait3A_191, %dma_wait3A_197] : memref<4x11x32xi32, #tpu.memory_space<vmem>> -> memref<1x1x32xi32, #tpu.memory_space<vmem>>
        %dma_wait3A_199 = tpu.memref_squeeze %dma_wait3A_198 : memref<1x1x32xi32, #tpu.memory_space<vmem>> -> memref<32xi32, #tpu.memory_space<vmem>>
        %dma_wait3A_200 = arith.constant 0 : i32
        %dma_wait3A_201 = arith.constant 0 : i32
        %dma_wait3A_202 = tpu.memref_slice %arg2[%dma_wait3A_200, %dma_wait3A_201] : memref<5633x128xf32, #tpu.memory_space<hbm>> -> memref<5633x128xf32, #tpu.memory_space<hbm>>
        tpu.wait_indirect_dma semaphore(%arg10 : memref<!tpu.dma_semaphore, #tpu.memory_space<semaphore_mem>>) src(%dma_wait3A_202 : memref<5633x128xf32, #tpu.memory_space<hbm>>) dst(%dma_wait3A_196 : memref<32x128xf32, #tpu.memory_space<vmem>>)
        %dma_wait3A_203 = arith.constant 4 : i32
        %dma_wait3A_204 = arith.constant 4 : i32
        %dma_wait3A_205 = arith.constant 0 : i32
        %dma_wait3A_206 = arith.constant 0 : i32
        %dma_wait3A_207 = tpu.memref_slice %arg7[%dma_wait3A_204, %dma_wait3A_205, %dma_wait3A_206] : memref<11x32x128xf32, #tpu.memory_space<vmem>> -> memref<1x32x128xf32, #tpu.memory_space<vmem>>
        %dma_wait3A_208 = tpu.memref_squeeze %dma_wait3A_207 : memref<1x32x128xf32, #tpu.memory_space<vmem>> -> memref<32x128xf32, #tpu.memory_space<vmem>>
        %dma_wait3A_209 = arith.constant 0 : i32
        %dma_wait3A_210 = tpu.memref_slice %arg6[%add3A_24, %dma_wait3A_203, %dma_wait3A_209] : memref<4x11x32xi32, #tpu.memory_space<vmem>> -> memref<1x1x32xi32, #tpu.memory_space<vmem>>
        %dma_wait3A_211 = tpu.memref_squeeze %dma_wait3A_210 : memref<1x1x32xi32, #tpu.memory_space<vmem>> -> memref<32xi32, #tpu.memory_space<vmem>>
        %dma_wait3A_212 = arith.constant 0 : i32
        %dma_wait3A_213 = arith.constant 0 : i32
        %dma_wait3A_214 = tpu.memref_slice %arg2[%dma_wait3A_212, %dma_wait3A_213] : memref<5633x128xf32, #tpu.memory_space<hbm>> -> memref<5633x128xf32, #tpu.memory_space<hbm>>
        tpu.wait_indirect_dma semaphore(%arg10 : memref<!tpu.dma_semaphore, #tpu.memory_space<semaphore_mem>>) src(%dma_wait3A_214 : memref<5633x128xf32, #tpu.memory_space<hbm>>) dst(%dma_wait3A_208 : memref<32x128xf32, #tpu.memory_space<vmem>>)
        %dma_wait3A_215 = arith.constant 5 : i32
        %dma_wait3A_216 = arith.constant 5 : i32
        %dma_wait3A_217 = arith.constant 0 : i32
        %dma_wait3A_218 = arith.constant 0 : i32
        %dma_wait3A_219 = tpu.memref_slice %arg7[%dma_wait3A_216, %dma_wait3A_217, %dma_wait3A_218] : memref<11x32x128xf32, #tpu.memory_space<vmem>> -> memref<1x32x128xf32, #tpu.memory_space<vmem>>
        %dma_wait3A_220 = tpu.memref_squeeze %dma_wait3A_219 : memref<1x32x128xf32, #tpu.memory_space<vmem>> -> memref<32x128xf32, #tpu.memory_space<vmem>>
        %dma_wait3A_221 = arith.constant 0 : i32
        %dma_wait3A_222 = tpu.memref_slice %arg6[%add3A_24, %dma_wait3A_215, %dma_wait3A_221] : memref<4x11x32xi32, #tpu.memory_space<vmem>> -> memref<1x1x32xi32, #tpu.memory_space<vmem>>
        %dma_wait3A_223 = tpu.memref_squeeze %dma_wait3A_222 : memref<1x1x32xi32, #tpu.memory_space<vmem>> -> memref<32xi32, #tpu.memory_space<vmem>>
        %dma_wait3A_224 = arith.constant 0 : i32
        %dma_wait3A_225 = arith.constant 0 : i32
        %dma_wait3A_226 = tpu.memref_slice %arg2[%dma_wait3A_224, %dma_wait3A_225] : memref<5633x128xf32, #tpu.memory_space<hbm>> -> memref<5633x128xf32, #tpu.memory_space<hbm>>
        tpu.wait_indirect_dma semaphore(%arg10 : memref<!tpu.dma_semaphore, #tpu.memory_space<semaphore_mem>>) src(%dma_wait3A_226 : memref<5633x128xf32, #tpu.memory_space<hbm>>) dst(%dma_wait3A_220 : memref<32x128xf32, #tpu.memory_space<vmem>>)
        %dma_wait3A_227 = arith.constant 6 : i32
        %dma_wait3A_228 = arith.constant 6 : i32
        %dma_wait3A_229 = arith.constant 0 : i32
        %dma_wait3A_230 = arith.constant 0 : i32
        %dma_wait3A_231 = tpu.memref_slice %arg7[%dma_wait3A_228, %dma_wait3A_229, %dma_wait3A_230] : memref<11x32x128xf32, #tpu.memory_space<vmem>> -> memref<1x32x128xf32, #tpu.memory_space<vmem>>
        %dma_wait3A_232 = tpu.memref_squeeze %dma_wait3A_231 : memref<1x32x128xf32, #tpu.memory_space<vmem>> -> memref<32x128xf32, #tpu.memory_space<vmem>>
        %dma_wait3A_233 = arith.constant 0 : i32
        %dma_wait3A_234 = tpu.memref_slice %arg6[%add3A_24, %dma_wait3A_227, %dma_wait3A_233] : memref<4x11x32xi32, #tpu.memory_space<vmem>> -> memref<1x1x32xi32, #tpu.memory_space<vmem>>
        %dma_wait3A_235 = tpu.memref_squeeze %dma_wait3A_234 : memref<1x1x32xi32, #tpu.memory_space<vmem>> -> memref<32xi32, #tpu.memory_space<vmem>>
        %dma_wait3A_236 = arith.constant 0 : i32
        %dma_wait3A_237 = arith.constant 0 : i32
        %dma_wait3A_238 = tpu.memref_slice %arg2[%dma_wait3A_236, %dma_wait3A_237] : memref<5633x128xf32, #tpu.memory_space<hbm>> -> memref<5633x128xf32, #tpu.memory_space<hbm>>
        tpu.wait_indirect_dma semaphore(%arg10 : memref<!tpu.dma_semaphore, #tpu.memory_space<semaphore_mem>>) src(%dma_wait3A_238 : memref<5633x128xf32, #tpu.memory_space<hbm>>) dst(%dma_wait3A_232 : memref<32x128xf32, #tpu.memory_space<vmem>>)
        %dma_wait3A_239 = arith.constant 7 : i32
        %dma_wait3A_240 = arith.constant 7 : i32
        %dma_wait3A_241 = arith.constant 0 : i32
        %dma_wait3A_242 = arith.constant 0 : i32
        %dma_wait3A_243 = tpu.memref_slice %arg7[%dma_wait3A_240, %dma_wait3A_241, %dma_wait3A_242] : memref<11x32x128xf32, #tpu.memory_space<vmem>> -> memref<1x32x128xf32, #tpu.memory_space<vmem>>
        %dma_wait3A_244 = tpu.memref_squeeze %dma_wait3A_243 : memref<1x32x128xf32, #tpu.memory_space<vmem>> -> memref<32x128xf32, #tpu.memory_space<vmem>>
        %dma_wait3A_245 = arith.constant 0 : i32
        %dma_wait3A_246 = tpu.memref_slice %arg6[%add3A_24, %dma_wait3A_239, %dma_wait3A_245] : memref<4x11x32xi32, #tpu.memory_space<vmem>> -> memref<1x1x32xi32, #tpu.memory_space<vmem>>
        %dma_wait3A_247 = tpu.memref_squeeze %dma_wait3A_246 : memref<1x1x32xi32, #tpu.memory_space<vmem>> -> memref<32xi32, #tpu.memory_space<vmem>>
        %dma_wait3A_248 = arith.constant 0 : i32
        %dma_wait3A_249 = arith.constant 0 : i32
        %dma_wait3A_250 = tpu.memref_slice %arg2[%dma_wait3A_248, %dma_wait3A_249] : memref<5633x128xf32, #tpu.memory_space<hbm>> -> memref<5633x128xf32, #tpu.memory_space<hbm>>
        tpu.wait_indirect_dma semaphore(%arg10 : memref<!tpu.dma_semaphore, #tpu.memory_space<semaphore_mem>>) src(%dma_wait3A_250 : memref<5633x128xf32, #tpu.memory_space<hbm>>) dst(%dma_wait3A_244 : memref<32x128xf32, #tpu.memory_space<vmem>>)
        %dma_wait3A_251 = arith.constant 8 : i32
        %dma_wait3A_252 = arith.constant 8 : i32
        %dma_wait3A_253 = arith.constant 0 : i32
        %dma_wait3A_254 = arith.constant 0 : i32
        %dma_wait3A_255 = tpu.memref_slice %arg7[%dma_wait3A_252, %dma_wait3A_253, %dma_wait3A_254] : memref<11x32x128xf32, #tpu.memory_space<vmem>> -> memref<1x32x128xf32, #tpu.memory_space<vmem>>
        %dma_wait3A_256 = tpu.memref_squeeze %dma_wait3A_255 : memref<1x32x128xf32, #tpu.memory_space<vmem>> -> memref<32x128xf32, #tpu.memory_space<vmem>>
        %dma_wait3A_257 = arith.constant 0 : i32
        %dma_wait3A_258 = tpu.memref_slice %arg6[%add3A_24, %dma_wait3A_251, %dma_wait3A_257] : memref<4x11x32xi32, #tpu.memory_space<vmem>> -> memref<1x1x32xi32, #tpu.memory_space<vmem>>
        %dma_wait3A_259 = tpu.memref_squeeze %dma_wait3A_258 : memref<1x1x32xi32, #tpu.memory_space<vmem>> -> memref<32xi32, #tpu.memory_space<vmem>>
        %dma_wait3A_260 = arith.constant 0 : i32
        %dma_wait3A_261 = arith.constant 0 : i32
        %dma_wait3A_262 = tpu.memref_slice %arg2[%dma_wait3A_260, %dma_wait3A_261] : memref<5633x128xf32, #tpu.memory_space<hbm>> -> memref<5633x128xf32, #tpu.memory_space<hbm>>
        tpu.wait_indirect_dma semaphore(%arg10 : memref<!tpu.dma_semaphore, #tpu.memory_space<semaphore_mem>>) src(%dma_wait3A_262 : memref<5633x128xf32, #tpu.memory_space<hbm>>) dst(%dma_wait3A_256 : memref<32x128xf32, #tpu.memory_space<vmem>>)
        %dma_wait3A_263 = arith.constant 9 : i32
        %dma_wait3A_264 = arith.constant 9 : i32
        %dma_wait3A_265 = arith.constant 0 : i32
        %dma_wait3A_266 = arith.constant 0 : i32
        %dma_wait3A_267 = tpu.memref_slice %arg7[%dma_wait3A_264, %dma_wait3A_265, %dma_wait3A_266] : memref<11x32x128xf32, #tpu.memory_space<vmem>> -> memref<1x32x128xf32, #tpu.memory_space<vmem>>
        %dma_wait3A_268 = tpu.memref_squeeze %dma_wait3A_267 : memref<1x32x128xf32, #tpu.memory_space<vmem>> -> memref<32x128xf32, #tpu.memory_space<vmem>>
        %dma_wait3A_269 = arith.constant 0 : i32
        %dma_wait3A_270 = tpu.memref_slice %arg6[%add3A_24, %dma_wait3A_263, %dma_wait3A_269] : memref<4x11x32xi32, #tpu.memory_space<vmem>> -> memref<1x1x32xi32, #tpu.memory_space<vmem>>
        %dma_wait3A_271 = tpu.memref_squeeze %dma_wait3A_270 : memref<1x1x32xi32, #tpu.memory_space<vmem>> -> memref<32xi32, #tpu.memory_space<vmem>>
        %dma_wait3A_272 = arith.constant 0 : i32
        %dma_wait3A_273 = arith.constant 0 : i32
        %dma_wait3A_274 = tpu.memref_slice %arg2[%dma_wait3A_272, %dma_wait3A_273] : memref<5633x128xf32, #tpu.memory_space<hbm>> -> memref<5633x128xf32, #tpu.memory_space<hbm>>
        tpu.wait_indirect_dma semaphore(%arg10 : memref<!tpu.dma_semaphore, #tpu.memory_space<semaphore_mem>>) src(%dma_wait3A_274 : memref<5633x128xf32, #tpu.memory_space<hbm>>) dst(%dma_wait3A_268 : memref<32x128xf32, #tpu.memory_space<vmem>>)
        %dma_wait3A_275 = arith.constant 10 : i32
        %dma_wait3A_276 = arith.constant 10 : i32
        %dma_wait3A_277 = arith.constant 0 : i32
        %dma_wait3A_278 = arith.constant 0 : i32
        %dma_wait3A_279 = tpu.memref_slice %arg7[%dma_wait3A_276, %dma_wait3A_277, %dma_wait3A_278] : memref<11x32x128xf32, #tpu.memory_space<vmem>> -> memref<1x32x128xf32, #tpu.memory_space<vmem>>
        %dma_wait3A_280 = tpu.memref_squeeze %dma_wait3A_279 : memref<1x32x128xf32, #tpu.memory_space<vmem>> -> memref<32x128xf32, #tpu.memory_space<vmem>>
        %dma_wait3A_281 = arith.constant 0 : i32
        %dma_wait3A_282 = tpu.memref_slice %arg6[%add3A_24, %dma_wait3A_275, %dma_wait3A_281] : memref<4x11x32xi32, #tpu.memory_space<vmem>> -> memref<1x1x32xi32, #tpu.memory_space<vmem>>
        %dma_wait3A_283 = tpu.memref_squeeze %dma_wait3A_282 : memref<1x1x32xi32, #tpu.memory_space<vmem>> -> memref<32xi32, #tpu.memory_space<vmem>>
        %dma_wait3A_284 = arith.constant 0 : i32
        %dma_wait3A_285 = arith.constant 0 : i32
        %dma_wait3A_286 = tpu.memref_slice %arg2[%dma_wait3A_284, %dma_wait3A_285] : memref<5633x128xf32, #tpu.memory_space<hbm>> -> memref<5633x128xf32, #tpu.memory_space<hbm>>
        tpu.wait_indirect_dma semaphore(%arg10 : memref<!tpu.dma_semaphore, #tpu.memory_space<semaphore_mem>>) src(%dma_wait3A_286 : memref<5633x128xf32, #tpu.memory_space<hbm>>) dst(%dma_wait3A_280 : memref<32x128xf32, #tpu.memory_space<vmem>>)
        %scan3A_287 = arith.constant 0 : i32
        %scan3A_288 = arith.constant 32 : i32
        %scan3A_289 = arith.addi %scan3A_287, %scan3A_288 : i32
        %scan3A_290 = arith.constant 1 : i32
        scf.for %scan3A_299 = %scan3A_287 to %scan3A_289 step %scan3A_290  : i32 {
          %mul3A_300 = arith.constant 1 : i32
          %mul3A_301 = arith.muli %scan3A_299, %mul3A_300 : i32
          %add3A_302 = arith.constant 0 : i32
          %add3A_303 = arith.addi %add3A_302, %mul3A_301 : i32
          %get3A = arith.constant 0 : i32
          %get3A_304 = arith.index_cast %get3A : i32 to index
          %get3A_305 = arith.index_cast %add3A_303 : i32 to index
          %get3A_306 = arith.constant 0 : index
          %get3A_307 = tpu.vector_load %arg7[%get3A_304, %get3A_305, %get3A_306] {strides = array<i32>} : memref<11x32x128xf32, #tpu.memory_space<vmem>>, vector<1x1x16xf32>,
          %get3A_308 = vector.shape_cast %get3A_307 : vector<1x1x16xf32> to vector<16xf32>
          %get3A_309 = arith.constant 1 : i32
          %get3A_310 = arith.index_cast %get3A_309 : i32 to index
          %get3A_311 = arith.index_cast %add3A_303 : i32 to index
          %get3A_312 = arith.constant 0 : index
          %get3A_313 = tpu.vector_load %arg7[%get3A_310, %get3A_311, %get3A_312] {strides = array<i32>} : memref<11x32x128xf32, #tpu.memory_space<vmem>>, vector<1x1x16xf32>,
          %get3A_314 = vector.shape_cast %get3A_313 : vector<1x1x16xf32> to vector<16xf32>
          %add3A_315 = arith.addf %get3A_308, %get3A_314 : vector<16xf32>
          %get3A_316 = arith.constant 2 : i32
          %get3A_317 = arith.index_cast %get3A_316 : i32 to index
          %get3A_318 = arith.index_cast %add3A_303 : i32 to index
          %get3A_319 = arith.constant 0 : index
          %get3A_320 = tpu.vector_load %arg7[%get3A_317, %get3A_318, %get3A_319] {strides = array<i32>} : memref<11x32x128xf32, #tpu.memory_space<vmem>>, vector<1x1x16xf32>,
          %get3A_321 = vector.shape_cast %get3A_320 : vector<1x1x16xf32> to vector<16xf32>
          %add3A_322 = arith.addf %add3A_315, %get3A_321 : vector<16xf32>
          %get3A_323 = arith.constant 3 : i32
          %get3A_324 = arith.index_cast %get3A_323 : i32 to index
          %get3A_325 = arith.index_cast %add3A_303 : i32 to index
          %get3A_326 = arith.constant 0 : index
          %get3A_327 = tpu.vector_load %arg7[%get3A_324, %get3A_325, %get3A_326] {strides = array<i32>} : memref<11x32x128xf32, #tpu.memory_space<vmem>>, vector<1x1x16xf32>,
          %get3A_328 = vector.shape_cast %get3A_327 : vector<1x1x16xf32> to vector<16xf32>
          %add3A_329 = arith.addf %add3A_322, %get3A_328 : vector<16xf32>
          %get3A_330 = arith.constant 4 : i32
          %get3A_331 = arith.index_cast %get3A_330 : i32 to index
          %get3A_332 = arith.index_cast %add3A_303 : i32 to index
          %get3A_333 = arith.constant 0 : index
          %get3A_334 = tpu.vector_load %arg7[%get3A_331, %get3A_332, %get3A_333] {strides = array<i32>} : memref<11x32x128xf32, #tpu.memory_space<vmem>>, vector<1x1x16xf32>,
          %get3A_335 = vector.shape_cast %get3A_334 : vector<1x1x16xf32> to vector<16xf32>
          %add3A_336 = arith.addf %add3A_329, %get3A_335 : vector<16xf32>
          %get3A_337 = arith.constant 5 : i32
          %get3A_338 = arith.index_cast %get3A_337 : i32 to index
          %get3A_339 = arith.index_cast %add3A_303 : i32 to index
          %get3A_340 = arith.constant 0 : index
          %get3A_341 = tpu.vector_load %arg7[%get3A_338, %get3A_339, %get3A_340] {strides = array<i32>} : memref<11x32x128xf32, #tpu.memory_space<vmem>>, vector<1x1x16xf32>,
          %get3A_342 = vector.shape_cast %get3A_341 : vector<1x1x16xf32> to vector<16xf32>
          %add3A_343 = arith.addf %add3A_336, %get3A_342 : vector<16xf32>
          %get3A_344 = arith.constant 6 : i32
          %get3A_345 = arith.index_cast %get3A_344 : i32 to index
          %get3A_346 = arith.index_cast %add3A_303 : i32 to index
          %get3A_347 = arith.constant 0 : index
          %get3A_348 = tpu.vector_load %arg7[%get3A_345, %get3A_346, %get3A_347] {strides = array<i32>} : memref<11x32x128xf32, #tpu.memory_space<vmem>>, vector<1x1x16xf32>,
          %get3A_349 = vector.shape_cast %get3A_348 : vector<1x1x16xf32> to vector<16xf32>
          %add3A_350 = arith.addf %add3A_343, %get3A_349 : vector<16xf32>
          %get3A_351 = arith.constant 7 : i32
          %get3A_352 = arith.index_cast %get3A_351 : i32 to index
          %get3A_353 = arith.index_cast %add3A_303 : i32 to index
          %get3A_354 = arith.constant 0 : index
          %get3A_355 = tpu.vector_load %arg7[%get3A_352, %get3A_353, %get3A_354] {strides = array<i32>} : memref<11x32x128xf32, #tpu.memory_space<vmem>>, vector<1x1x16xf32>,
          %get3A_356 = vector.shape_cast %get3A_355 : vector<1x1x16xf32> to vector<16xf32>
          %add3A_357 = arith.addf %add3A_350, %get3A_356 : vector<16xf32>
          %get3A_358 = arith.constant 8 : i32
          %get3A_359 = arith.index_cast %get3A_358 : i32 to index
          %get3A_360 = arith.index_cast %add3A_303 : i32 to index
          %get3A_361 = arith.constant 0 : index
          %get3A_362 = tpu.vector_load %arg7[%get3A_359, %get3A_360, %get3A_361] {strides = array<i32>} : memref<11x32x128xf32, #tpu.memory_space<vmem>>, vector<1x1x16xf32>,
          %get3A_363 = vector.shape_cast %get3A_362 : vector<1x1x16xf32> to vector<16xf32>
          %add3A_364 = arith.addf %add3A_357, %get3A_363 : vector<16xf32>
          %get3A_365 = arith.constant 9 : i32
          %get3A_366 = arith.index_cast %get3A_365 : i32 to index
          %get3A_367 = arith.index_cast %add3A_303 : i32 to index
          %get3A_368 = arith.constant 0 : index
          %get3A_369 = tpu.vector_load %arg7[%get3A_366, %get3A_367, %get3A_368] {strides = array<i32>} : memref<11x32x128xf32, #tpu.memory_space<vmem>>, vector<1x1x16xf32>,
          %get3A_370 = vector.shape_cast %get3A_369 : vector<1x1x16xf32> to vector<16xf32>
          %add3A_371 = arith.addf %add3A_364, %get3A_370 : vector<16xf32>
          %get3A_372 = arith.constant 10 : i32
          %get3A_373 = arith.index_cast %get3A_372 : i32 to index
          %get3A_374 = arith.index_cast %add3A_303 : i32 to index
          %get3A_375 = arith.constant 0 : index
          %get3A_376 = tpu.vector_load %arg7[%get3A_373, %get3A_374, %get3A_375] {strides = array<i32>} : memref<11x32x128xf32, #tpu.memory_space<vmem>>, vector<1x1x16xf32>,
          %get3A_377 = vector.shape_cast %get3A_376 : vector<1x1x16xf32> to vector<16xf32>
          %add3A_378 = arith.addf %add3A_371, %get3A_377 : vector<16xf32>
          %swap3A = arith.index_cast %add3A_303 : i32 to index
          %swap3A_379 = arith.constant 0 : index
          %swap3A_380 = tpu.vector_load %arg8[%swap3A, %swap3A_379] {strides = array<i32>} : memref<32x128xf32, #tpu.memory_space<vmem>>, vector<1x16xf32>,
          %swap3A_381 = vector.shape_cast %swap3A_380 : vector<1x16xf32> to vector<16xf32>
          %swap3A_382 = vector.shape_cast %add3A_378 : vector<16xf32> to vector<1x16xf32>
          tpu.vector_store %arg8[%swap3A, %swap3A_379], %swap3A_382 {strides = array<i32>} : memref<32x128xf32, #tpu.memory_space<vmem>>, vector<1x16xf32>,
          %get3A_383 = arith.constant 0 : i32
          %get3A_384 = arith.index_cast %get3A_383 : i32 to index
          %get3A_385 = arith.index_cast %add3A_303 : i32 to index
          %get3A_386 = arith.constant 16 : index
          %get3A_387 = tpu.vector_load %arg7[%get3A_384, %get3A_385, %get3A_386] {strides = array<i32>} : memref<11x32x128xf32, #tpu.memory_space<vmem>>, vector<1x1x16xf32>,
          %get3A_388 = vector.shape_cast %get3A_387 : vector<1x1x16xf32> to vector<16xf32>
          %get3A_389 = arith.constant 1 : i32
          %get3A_390 = arith.index_cast %get3A_389 : i32 to index
          %get3A_391 = arith.index_cast %add3A_303 : i32 to index
          %get3A_392 = arith.constant 16 : index
          %get3A_393 = tpu.vector_load %arg7[%get3A_390, %get3A_391, %get3A_392] {strides = array<i32>} : memref<11x32x128xf32, #tpu.memory_space<vmem>>, vector<1x1x16xf32>,
          %get3A_394 = vector.shape_cast %get3A_393 : vector<1x1x16xf32> to vector<16xf32>
          %add3A_395 = arith.addf %get3A_388, %get3A_394 : vector<16xf32>
          %get3A_396 = arith.constant 2 : i32
          %get3A_397 = arith.index_cast %get3A_396 : i32 to index
          %get3A_398 = arith.index_cast %add3A_303 : i32 to index
          %get3A_399 = arith.constant 16 : index
          %get3A_400 = tpu.vector_load %arg7[%get3A_397, %get3A_398, %get3A_399] {strides = array<i32>} : memref<11x32x128xf32, #tpu.memory_space<vmem>>, vector<1x1x16xf32>,
          %get3A_401 = vector.shape_cast %get3A_400 : vector<1x1x16xf32> to vector<16xf32>
          %add3A_402 = arith.addf %add3A_395, %get3A_401 : vector<16xf32>
          %get3A_403 = arith.constant 3 : i32
          %get3A_404 = arith.index_cast %get3A_403 : i32 to index
          %get3A_405 = arith.index_cast %add3A_303 : i32 to index
          %get3A_406 = arith.constant 16 : index
          %get3A_407 = tpu.vector_load %arg7[%get3A_404, %get3A_405, %get3A_406] {strides = array<i32>} : memref<11x32x128xf32, #tpu.memory_space<vmem>>, vector<1x1x16xf32>,
          %get3A_408 = vector.shape_cast %get3A_407 : vector<1x1x16xf32> to vector<16xf32>
          %add3A_409 = arith.addf %add3A_402, %get3A_408 : vector<16xf32>
          %get3A_410 = arith.constant 4 : i32
          %get3A_411 = arith.index_cast %get3A_410 : i32 to index
          %get3A_412 = arith.index_cast %add3A_303 : i32 to index
          %get3A_413 = arith.constant 16 : index
          %get3A_414 = tpu.vector_load %arg7[%get3A_411, %get3A_412, %get3A_413] {strides = array<i32>} : memref<11x32x128xf32, #tpu.memory_space<vmem>>, vector<1x1x16xf32>,
          %get3A_415 = vector.shape_cast %get3A_414 : vector<1x1x16xf32> to vector<16xf32>
          %add3A_416 = arith.addf %add3A_409, %get3A_415 : vector<16xf32>
          %get3A_417 = arith.constant 5 : i32
          %get3A_418 = arith.index_cast %get3A_417 : i32 to index
          %get3A_419 = arith.index_cast %add3A_303 : i32 to index
          %get3A_420 = arith.constant 16 : index
          %get3A_421 = tpu.vector_load %arg7[%get3A_418, %get3A_419, %get3A_420] {strides = array<i32>} : memref<11x32x128xf32, #tpu.memory_space<vmem>>, vector<1x1x16xf32>,
          %get3A_422 = vector.shape_cast %get3A_421 : vector<1x1x16xf32> to vector<16xf32>
          %add3A_423 = arith.addf %add3A_416, %get3A_422 : vector<16xf32>
          %get3A_424 = arith.constant 6 : i32
          %get3A_425 = arith.index_cast %get3A_424 : i32 to index
          %get3A_426 = arith.index_cast %add3A_303 : i32 to index
          %get3A_427 = arith.constant 16 : index
          %get3A_428 = tpu.vector_load %arg7[%get3A_425, %get3A_426, %get3A_427] {strides = array<i32>} : memref<11x32x128xf32, #tpu.memory_space<vmem>>, vector<1x1x16xf32>,
          %get3A_429 = vector.shape_cast %get3A_428 : vector<1x1x16xf32> to vector<16xf32>
          %add3A_430 = arith.addf %add3A_423, %get3A_429 : vector<16xf32>
          %get3A_431 = arith.constant 7 : i32
          %get3A_432 = arith.index_cast %get3A_431 : i32 to index
          %get3A_433 = arith.index_cast %add3A_303 : i32 to index
          %get3A_434 = arith.constant 16 : index
          %get3A_435 = tpu.vector_load %arg7[%get3A_432, %get3A_433, %get3A_434] {strides = array<i32>} : memref<11x32x128xf32, #tpu.memory_space<vmem>>, vector<1x1x16xf32>,
          %get3A_436 = vector.shape_cast %get3A_435 : vector<1x1x16xf32> to vector<16xf32>
          %add3A_437 = arith.addf %add3A_430, %get3A_436 : vector<16xf32>
          %get3A_438 = arith.constant 8 : i32
          %get3A_439 = arith.index_cast %get3A_438 : i32 to index
          %get3A_440 = arith.index_cast %add3A_303 : i32 to index
          %get3A_441 = arith.constant 16 : index
          %get3A_442 = tpu.vector_load %arg7[%get3A_439, %get3A_440, %get3A_441] {strides = array<i32>} : memref<11x32x128xf32, #tpu.memory_space<vmem>>, vector<1x1x16xf32>,
          %get3A_443 = vector.shape_cast %get3A_442 : vector<1x1x16xf32> to vector<16xf32>
          %add3A_444 = arith.addf %add3A_437, %get3A_443 : vector<16xf32>
          %get3A_445 = arith.constant 9 : i32
          %get3A_446 = arith.index_cast %get3A_445 : i32 to index
          %get3A_447 = arith.index_cast %add3A_303 : i32 to index
          %get3A_448 = arith.constant 16 : index
          %get3A_449 = tpu.vector_load %arg7[%get3A_446, %get3A_447, %get3A_448] {strides = array<i32>} : memref<11x32x128xf32, #tpu.memory_space<vmem>>, vector<1x1x16xf32>,
          %get3A_450 = vector.shape_cast %get3A_449 : vector<1x1x16xf32> to vector<16xf32>
          %add3A_451 = arith.addf %add3A_444, %get3A_450 : vector<16xf32>
          %get3A_452 = arith.constant 10 : i32
          %get3A_453 = arith.index_cast %get3A_452 : i32 to index
          %get3A_454 = arith.index_cast %add3A_303 : i32 to index
          %get3A_455 = arith.constant 16 : index
          %get3A_456 = tpu.vector_load %arg7[%get3A_453, %get3A_454, %get3A_455] {strides = array<i32>} : memref<11x32x128xf32, #tpu.memory_space<vmem>>, vector<1x1x16xf32>,
          %get3A_457 = vector.shape_cast %get3A_456 : vector<1x1x16xf32> to vector<16xf32>
          %add3A_458 = arith.addf %add3A_451, %get3A_457 : vector<16xf32>
          %swap3A_459 = arith.index_cast %add3A_303 : i32 to index
          %swap3A_460 = arith.constant 16 : index
          %swap3A_461 = tpu.vector_load %arg8[%swap3A_459, %swap3A_460] {strides = array<i32>} : memref<32x128xf32, #tpu.memory_space<vmem>>, vector<1x16xf32>,
          %swap3A_462 = vector.shape_cast %swap3A_461 : vector<1x16xf32> to vector<16xf32>
          %swap3A_463 = vector.shape_cast %add3A_458 : vector<16xf32> to vector<1x16xf32>
          tpu.vector_store %arg8[%swap3A_459, %swap3A_460], %swap3A_463 {strides = array<i32>} : memref<32x128xf32, #tpu.memory_space<vmem>>, vector<1x16xf32>,
          %get3A_464 = arith.constant 0 : i32
          %get3A_465 = arith.index_cast %get3A_464 : i32 to index
          %get3A_466 = arith.index_cast %add3A_303 : i32 to index
          %get3A_467 = arith.constant 32 : index
          %get3A_468 = tpu.vector_load %arg7[%get3A_465, %get3A_466, %get3A_467] {strides = array<i32>} : memref<11x32x128xf32, #tpu.memory_space<vmem>>, vector<1x1x16xf32>,
          %get3A_469 = vector.shape_cast %get3A_468 : vector<1x1x16xf32> to vector<16xf32>
          %get3A_470 = arith.constant 1 : i32
          %get3A_471 = arith.index_cast %get3A_470 : i32 to index
          %get3A_472 = arith.index_cast %add3A_303 : i32 to index
          %get3A_473 = arith.constant 32 : index
          %get3A_474 = tpu.vector_load %arg7[%get3A_471, %get3A_472, %get3A_473] {strides = array<i32>} : memref<11x32x128xf32, #tpu.memory_space<vmem>>, vector<1x1x16xf32>,
          %get3A_475 = vector.shape_cast %get3A_474 : vector<1x1x16xf32> to vector<16xf32>
          %add3A_476 = arith.addf %get3A_469, %get3A_475 : vector<16xf32>
          %get3A_477 = arith.constant 2 : i32
          %get3A_478 = arith.index_cast %get3A_477 : i32 to index
          %get3A_479 = arith.index_cast %add3A_303 : i32 to index
          %get3A_480 = arith.constant 32 : index
          %get3A_481 = tpu.vector_load %arg7[%get3A_478, %get3A_479, %get3A_480] {strides = array<i32>} : memref<11x32x128xf32, #tpu.memory_space<vmem>>, vector<1x1x16xf32>,
          %get3A_482 = vector.shape_cast %get3A_481 : vector<1x1x16xf32> to vector<16xf32>
          %add3A_483 = arith.addf %add3A_476, %get3A_482 : vector<16xf32>
          %get3A_484 = arith.constant 3 : i32
          %get3A_485 = arith.index_cast %get3A_484 : i32 to index
          %get3A_486 = arith.index_cast %add3A_303 : i32 to index
          %get3A_487 = arith.constant 32 : index
          %get3A_488 = tpu.vector_load %arg7[%get3A_485, %get3A_486, %get3A_487] {strides = array<i32>} : memref<11x32x128xf32, #tpu.memory_space<vmem>>, vector<1x1x16xf32>,
          %get3A_489 = vector.shape_cast %get3A_488 : vector<1x1x16xf32> to vector<16xf32>
          %add3A_490 = arith.addf %add3A_483, %get3A_489 : vector<16xf32>
          %get3A_491 = arith.constant 4 : i32
          %get3A_492 = arith.index_cast %get3A_491 : i32 to index
          %get3A_493 = arith.index_cast %add3A_303 : i32 to index
          %get3A_494 = arith.constant 32 : index
          %get3A_495 = tpu.vector_load %arg7[%get3A_492, %get3A_493, %get3A_494] {strides = array<i32>} : memref<11x32x128xf32, #tpu.memory_space<vmem>>, vector<1x1x16xf32>,
          %get3A_496 = vector.shape_cast %get3A_495 : vector<1x1x16xf32> to vector<16xf32>
          %add3A_497 = arith.addf %add3A_490, %get3A_496 : vector<16xf32>
          %get3A_498 = arith.constant 5 : i32
          %get3A_499 = arith.index_cast %get3A_498 : i32 to index
          %get3A_500 = arith.index_cast %add3A_303 : i32 to index
          %get3A_501 = arith.constant 32 : index
          %get3A_502 = tpu.vector_load %arg7[%get3A_499, %get3A_500, %get3A_501] {strides = array<i32>} : memref<11x32x128xf32, #tpu.memory_space<vmem>>, vector<1x1x16xf32>,
          %get3A_503 = vector.shape_cast %get3A_502 : vector<1x1x16xf32> to vector<16xf32>
          %add3A_504 = arith.addf %add3A_497, %get3A_503 : vector<16xf32>
          %get3A_505 = arith.constant 6 : i32
          %get3A_506 = arith.index_cast %get3A_505 : i32 to index
          %get3A_507 = arith.index_cast %add3A_303 : i32 to index
          %get3A_508 = arith.constant 32 : index
          %get3A_509 = tpu.vector_load %arg7[%get3A_506, %get3A_507, %get3A_508] {strides = array<i32>} : memref<11x32x128xf32, #tpu.memory_space<vmem>>, vector<1x1x16xf32>,
          %get3A_510 = vector.shape_cast %get3A_509 : vector<1x1x16xf32> to vector<16xf32>
          %add3A_511 = arith.addf %add3A_504, %get3A_510 : vector<16xf32>
          %get3A_512 = arith.constant 7 : i32
          %get3A_513 = arith.index_cast %get3A_512 : i32 to index
          %get3A_514 = arith.index_cast %add3A_303 : i32 to index
          %get3A_515 = arith.constant 32 : index
          %get3A_516 = tpu.vector_load %arg7[%get3A_513, %get3A_514, %get3A_515] {strides = array<i32>} : memref<11x32x128xf32, #tpu.memory_space<vmem>>, vector<1x1x16xf32>,
          %get3A_517 = vector.shape_cast %get3A_516 : vector<1x1x16xf32> to vector<16xf32>
          %add3A_518 = arith.addf %add3A_511, %get3A_517 : vector<16xf32>
          %get3A_519 = arith.constant 8 : i32
          %get3A_520 = arith.index_cast %get3A_519 : i32 to index
          %get3A_521 = arith.index_cast %add3A_303 : i32 to index
          %get3A_522 = arith.constant 32 : index
          %get3A_523 = tpu.vector_load %arg7[%get3A_520, %get3A_521, %get3A_522] {strides = array<i32>} : memref<11x32x128xf32, #tpu.memory_space<vmem>>, vector<1x1x16xf32>,
          %get3A_524 = vector.shape_cast %get3A_523 : vector<1x1x16xf32> to vector<16xf32>
          %add3A_525 = arith.addf %add3A_518, %get3A_524 : vector<16xf32>
          %get3A_526 = arith.constant 9 : i32
          %get3A_527 = arith.index_cast %get3A_526 : i32 to index
          %get3A_528 = arith.index_cast %add3A_303 : i32 to index
          %get3A_529 = arith.constant 32 : index
          %get3A_530 = tpu.vector_load %arg7[%get3A_527, %get3A_528, %get3A_529] {strides = array<i32>} : memref<11x32x128xf32, #tpu.memory_space<vmem>>, vector<1x1x16xf32>,
          %get3A_531 = vector.shape_cast %get3A_530 : vector<1x1x16xf32> to vector<16xf32>
          %add3A_532 = arith.addf %add3A_525, %get3A_531 : vector<16xf32>
          %get3A_533 = arith.constant 10 : i32
          %get3A_534 = arith.index_cast %get3A_533 : i32 to index
          %get3A_535 = arith.index_cast %add3A_303 : i32 to index
          %get3A_536 = arith.constant 32 : index
          %get3A_537 = tpu.vector_load %arg7[%get3A_534, %get3A_535, %get3A_536] {strides = array<i32>} : memref<11x32x128xf32, #tpu.memory_space<vmem>>, vector<1x1x16xf32>,
          %get3A_538 = vector.shape_cast %get3A_537 : vector<1x1x16xf32> to vector<16xf32>
          %add3A_539 = arith.addf %add3A_532, %get3A_538 : vector<16xf32>
          %swap3A_540 = arith.index_cast %add3A_303 : i32 to index
          %swap3A_541 = arith.constant 32 : index
          %swap3A_542 = tpu.vector_load %arg8[%swap3A_540, %swap3A_541] {strides = array<i32>} : memref<32x128xf32, #tpu.memory_space<vmem>>, vector<1x16xf32>,
          %swap3A_543 = vector.shape_cast %swap3A_542 : vector<1x16xf32> to vector<16xf32>
          %swap3A_544 = vector.shape_cast %add3A_539 : vector<16xf32> to vector<1x16xf32>
          tpu.vector_store %arg8[%swap3A_540, %swap3A_541], %swap3A_544 {strides = array<i32>} : memref<32x128xf32, #tpu.memory_space<vmem>>, vector<1x16xf32>,
          %get3A_545 = arith.constant 0 : i32
          %get3A_546 = arith.index_cast %get3A_545 : i32 to index
          %get3A_547 = arith.index_cast %add3A_303 : i32 to index
          %get3A_548 = arith.constant 48 : index
          %get3A_549 = tpu.vector_load %arg7[%get3A_546, %get3A_547, %get3A_548] {strides = array<i32>} : memref<11x32x128xf32, #tpu.memory_space<vmem>>, vector<1x1x16xf32>,
          %get3A_550 = vector.shape_cast %get3A_549 : vector<1x1x16xf32> to vector<16xf32>
          %get3A_551 = arith.constant 1 : i32
          %get3A_552 = arith.index_cast %get3A_551 : i32 to index
          %get3A_553 = arith.index_cast %add3A_303 : i32 to index
          %get3A_554 = arith.constant 48 : index
          %get3A_555 = tpu.vector_load %arg7[%get3A_552, %get3A_553, %get3A_554] {strides = array<i32>} : memref<11x32x128xf32, #tpu.memory_space<vmem>>, vector<1x1x16xf32>,
          %get3A_556 = vector.shape_cast %get3A_555 : vector<1x1x16xf32> to vector<16xf32>
          %add3A_557 = arith.addf %get3A_550, %get3A_556 : vector<16xf32>
          %get3A_558 = arith.constant 2 : i32
          %get3A_559 = arith.index_cast %get3A_558 : i32 to index
          %get3A_560 = arith.index_cast %add3A_303 : i32 to index
          %get3A_561 = arith.constant 48 : index
          %get3A_562 = tpu.vector_load %arg7[%get3A_559, %get3A_560, %get3A_561] {strides = array<i32>} : memref<11x32x128xf32, #tpu.memory_space<vmem>>, vector<1x1x16xf32>,
          %get3A_563 = vector.shape_cast %get3A_562 : vector<1x1x16xf32> to vector<16xf32>
          %add3A_564 = arith.addf %add3A_557, %get3A_563 : vector<16xf32>
          %get3A_565 = arith.constant 3 : i32
          %get3A_566 = arith.index_cast %get3A_565 : i32 to index
          %get3A_567 = arith.index_cast %add3A_303 : i32 to index
          %get3A_568 = arith.constant 48 : index
          %get3A_569 = tpu.vector_load %arg7[%get3A_566, %get3A_567, %get3A_568] {strides = array<i32>} : memref<11x32x128xf32, #tpu.memory_space<vmem>>, vector<1x1x16xf32>,
          %get3A_570 = vector.shape_cast %get3A_569 : vector<1x1x16xf32> to vector<16xf32>
          %add3A_571 = arith.addf %add3A_564, %get3A_570 : vector<16xf32>
          %get3A_572 = arith.constant 4 : i32
          %get3A_573 = arith.index_cast %get3A_572 : i32 to index
          %get3A_574 = arith.index_cast %add3A_303 : i32 to index
          %get3A_575 = arith.constant 48 : index
          %get3A_576 = tpu.vector_load %arg7[%get3A_573, %get3A_574, %get3A_575] {strides = array<i32>} : memref<11x32x128xf32, #tpu.memory_space<vmem>>, vector<1x1x16xf32>,
          %get3A_577 = vector.shape_cast %get3A_576 : vector<1x1x16xf32> to vector<16xf32>
          %add3A_578 = arith.addf %add3A_571, %get3A_577 : vector<16xf32>
          %get3A_579 = arith.constant 5 : i32
          %get3A_580 = arith.index_cast %get3A_579 : i32 to index
          %get3A_581 = arith.index_cast %add3A_303 : i32 to index
          %get3A_582 = arith.constant 48 : index
          %get3A_583 = tpu.vector_load %arg7[%get3A_580, %get3A_581, %get3A_582] {strides = array<i32>} : memref<11x32x128xf32, #tpu.memory_space<vmem>>, vector<1x1x16xf32>,
          %get3A_584 = vector.shape_cast %get3A_583 : vector<1x1x16xf32> to vector<16xf32>
          %add3A_585 = arith.addf %add3A_578, %get3A_584 : vector<16xf32>
          %get3A_586 = arith.constant 6 : i32
          %get3A_587 = arith.index_cast %get3A_586 : i32 to index
          %get3A_588 = arith.index_cast %add3A_303 : i32 to index
          %get3A_589 = arith.constant 48 : index
          %get3A_590 = tpu.vector_load %arg7[%get3A_587, %get3A_588, %get3A_589] {strides = array<i32>} : memref<11x32x128xf32, #tpu.memory_space<vmem>>, vector<1x1x16xf32>,
          %get3A_591 = vector.shape_cast %get3A_590 : vector<1x1x16xf32> to vector<16xf32>
          %add3A_592 = arith.addf %add3A_585, %get3A_591 : vector<16xf32>
          %get3A_593 = arith.constant 7 : i32
          %get3A_594 = arith.index_cast %get3A_593 : i32 to index
          %get3A_595 = arith.index_cast %add3A_303 : i32 to index
          %get3A_596 = arith.constant 48 : index
          %get3A_597 = tpu.vector_load %arg7[%get3A_594, %get3A_595, %get3A_596] {strides = array<i32>} : memref<11x32x128xf32, #tpu.memory_space<vmem>>, vector<1x1x16xf32>,
          %get3A_598 = vector.shape_cast %get3A_597 : vector<1x1x16xf32> to vector<16xf32>
          %add3A_599 = arith.addf %add3A_592, %get3A_598 : vector<16xf32>
          %get3A_600 = arith.constant 8 : i32
          %get3A_601 = arith.index_cast %get3A_600 : i32 to index
          %get3A_602 = arith.index_cast %add3A_303 : i32 to index
          %get3A_603 = arith.constant 48 : index
          %get3A_604 = tpu.vector_load %arg7[%get3A_601, %get3A_602, %get3A_603] {strides = array<i32>} : memref<11x32x128xf32, #tpu.memory_space<vmem>>, vector<1x1x16xf32>,
          %get3A_605 = vector.shape_cast %get3A_604 : vector<1x1x16xf32> to vector<16xf32>
          %add3A_606 = arith.addf %add3A_599, %get3A_605 : vector<16xf32>
          %get3A_607 = arith.constant 9 : i32
          %get3A_608 = arith.index_cast %get3A_607 : i32 to index
          %get3A_609 = arith.index_cast %add3A_303 : i32 to index
          %get3A_610 = arith.constant 48 : index
          %get3A_611 = tpu.vector_load %arg7[%get3A_608, %get3A_609, %get3A_610] {strides = array<i32>} : memref<11x32x128xf32, #tpu.memory_space<vmem>>, vector<1x1x16xf32>,
          %get3A_612 = vector.shape_cast %get3A_611 : vector<1x1x16xf32> to vector<16xf32>
          %add3A_613 = arith.addf %add3A_606, %get3A_612 : vector<16xf32>
          %get3A_614 = arith.constant 10 : i32
          %get3A_615 = arith.index_cast %get3A_614 : i32 to index
          %get3A_616 = arith.index_cast %add3A_303 : i32 to index
          %get3A_617 = arith.constant 48 : index
          %get3A_618 = tpu.vector_load %arg7[%get3A_615, %get3A_616, %get3A_617] {strides = array<i32>} : memref<11x32x128xf32, #tpu.memory_space<vmem>>, vector<1x1x16xf32>,
          %get3A_619 = vector.shape_cast %get3A_618 : vector<1x1x16xf32> to vector<16xf32>
          %add3A_620 = arith.addf %add3A_613, %get3A_619 : vector<16xf32>
          %swap3A_621 = arith.index_cast %add3A_303 : i32 to index
          %swap3A_622 = arith.constant 48 : index
          %swap3A_623 = tpu.vector_load %arg8[%swap3A_621, %swap3A_622] {strides = array<i32>} : memref<32x128xf32, #tpu.memory_space<vmem>>, vector<1x16xf32>,
          %swap3A_624 = vector.shape_cast %swap3A_623 : vector<1x16xf32> to vector<16xf32>
          %swap3A_625 = vector.shape_cast %add3A_620 : vector<16xf32> to vector<1x16xf32>
          tpu.vector_store %arg8[%swap3A_621, %swap3A_622], %swap3A_625 {strides = array<i32>} : memref<32x128xf32, #tpu.memory_space<vmem>>, vector<1x16xf32>,
          %get3A_626 = arith.constant 0 : i32
          %get3A_627 = arith.index_cast %get3A_626 : i32 to index
          %get3A_628 = arith.index_cast %add3A_303 : i32 to index
          %get3A_629 = arith.constant 64 : index
          %get3A_630 = tpu.vector_load %arg7[%get3A_627, %get3A_628, %get3A_629] {strides = array<i32>} : memref<11x32x128xf32, #tpu.memory_space<vmem>>, vector<1x1x16xf32>,
          %get3A_631 = vector.shape_cast %get3A_630 : vector<1x1x16xf32> to vector<16xf32>
          %get3A_632 = arith.constant 1 : i32
          %get3A_633 = arith.index_cast %get3A_632 : i32 to index
          %get3A_634 = arith.index_cast %add3A_303 : i32 to index
          %get3A_635 = arith.constant 64 : index
          %get3A_636 = tpu.vector_load %arg7[%get3A_633, %get3A_634, %get3A_635] {strides = array<i32>} : memref<11x32x128xf32, #tpu.memory_space<vmem>>, vector<1x1x16xf32>,
          %get3A_637 = vector.shape_cast %get3A_636 : vector<1x1x16xf32> to vector<16xf32>
          %add3A_638 = arith.addf %get3A_631, %get3A_637 : vector<16xf32>
          %get3A_639 = arith.constant 2 : i32
          %get3A_640 = arith.index_cast %get3A_639 : i32 to index
          %get3A_641 = arith.index_cast %add3A_303 : i32 to index
          %get3A_642 = arith.constant 64 : index
          %get3A_643 = tpu.vector_load %arg7[%get3A_640, %get3A_641, %get3A_642] {strides = array<i32>} : memref<11x32x128xf32, #tpu.memory_space<vmem>>, vector<1x1x16xf32>,
          %get3A_644 = vector.shape_cast %get3A_643 : vector<1x1x16xf32> to vector<16xf32>
          %add3A_645 = arith.addf %add3A_638, %get3A_644 : vector<16xf32>
          %get3A_646 = arith.constant 3 : i32
          %get3A_647 = arith.index_cast %get3A_646 : i32 to index
          %get3A_648 = arith.index_cast %add3A_303 : i32 to index
          %get3A_649 = arith.constant 64 : index
          %get3A_650 = tpu.vector_load %arg7[%get3A_647, %get3A_648, %get3A_649] {strides = array<i32>} : memref<11x32x128xf32, #tpu.memory_space<vmem>>, vector<1x1x16xf32>,
          %get3A_651 = vector.shape_cast %get3A_650 : vector<1x1x16xf32> to vector<16xf32>
          %add3A_652 = arith.addf %add3A_645, %get3A_651 : vector<16xf32>
          %get3A_653 = arith.constant 4 : i32
          %get3A_654 = arith.index_cast %get3A_653 : i32 to index
          %get3A_655 = arith.index_cast %add3A_303 : i32 to index
          %get3A_656 = arith.constant 64 : index
          %get3A_657 = tpu.vector_load %arg7[%get3A_654, %get3A_655, %get3A_656] {strides = array<i32>} : memref<11x32x128xf32, #tpu.memory_space<vmem>>, vector<1x1x16xf32>,
          %get3A_658 = vector.shape_cast %get3A_657 : vector<1x1x16xf32> to vector<16xf32>
          %add3A_659 = arith.addf %add3A_652, %get3A_658 : vector<16xf32>
          %get3A_660 = arith.constant 5 : i32
          %get3A_661 = arith.index_cast %get3A_660 : i32 to index
          %get3A_662 = arith.index_cast %add3A_303 : i32 to index
          %get3A_663 = arith.constant 64 : index
          %get3A_664 = tpu.vector_load %arg7[%get3A_661, %get3A_662, %get3A_663] {strides = array<i32>} : memref<11x32x128xf32, #tpu.memory_space<vmem>>, vector<1x1x16xf32>,
          %get3A_665 = vector.shape_cast %get3A_664 : vector<1x1x16xf32> to vector<16xf32>
          %add3A_666 = arith.addf %add3A_659, %get3A_665 : vector<16xf32>
          %get3A_667 = arith.constant 6 : i32
          %get3A_668 = arith.index_cast %get3A_667 : i32 to index
          %get3A_669 = arith.index_cast %add3A_303 : i32 to index
          %get3A_670 = arith.constant 64 : index
          %get3A_671 = tpu.vector_load %arg7[%get3A_668, %get3A_669, %get3A_670] {strides = array<i32>} : memref<11x32x128xf32, #tpu.memory_space<vmem>>, vector<1x1x16xf32>,
          %get3A_672 = vector.shape_cast %get3A_671 : vector<1x1x16xf32> to vector<16xf32>
          %add3A_673 = arith.addf %add3A_666, %get3A_672 : vector<16xf32>
          %get3A_674 = arith.constant 7 : i32
          %get3A_675 = arith.index_cast %get3A_674 : i32 to index
          %get3A_676 = arith.index_cast %add3A_303 : i32 to index
          %get3A_677 = arith.constant 64 : index
          %get3A_678 = tpu.vector_load %arg7[%get3A_675, %get3A_676, %get3A_677] {strides = array<i32>} : memref<11x32x128xf32, #tpu.memory_space<vmem>>, vector<1x1x16xf32>,
          %get3A_679 = vector.shape_cast %get3A_678 : vector<1x1x16xf32> to vector<16xf32>
          %add3A_680 = arith.addf %add3A_673, %get3A_679 : vector<16xf32>
          %get3A_681 = arith.constant 8 : i32
          %get3A_682 = arith.index_cast %get3A_681 : i32 to index
          %get3A_683 = arith.index_cast %add3A_303 : i32 to index
          %get3A_684 = arith.constant 64 : index
          %get3A_685 = tpu.vector_load %arg7[%get3A_682, %get3A_683, %get3A_684] {strides = array<i32>} : memref<11x32x128xf32, #tpu.memory_space<vmem>>, vector<1x1x16xf32>,
          %get3A_686 = vector.shape_cast %get3A_685 : vector<1x1x16xf32> to vector<16xf32>
          %add3A_687 = arith.addf %add3A_680, %get3A_686 : vector<16xf32>
          %get3A_688 = arith.constant 9 : i32
          %get3A_689 = arith.index_cast %get3A_688 : i32 to index
          %get3A_690 = arith.index_cast %add3A_303 : i32 to index
          %get3A_691 = arith.constant 64 : index
          %get3A_692 = tpu.vector_load %arg7[%get3A_689, %get3A_690, %get3A_691] {strides = array<i32>} : memref<11x32x128xf32, #tpu.memory_space<vmem>>, vector<1x1x16xf32>,
          %get3A_693 = vector.shape_cast %get3A_692 : vector<1x1x16xf32> to vector<16xf32>
          %add3A_694 = arith.addf %add3A_687, %get3A_693 : vector<16xf32>
          %get3A_695 = arith.constant 10 : i32
          %get3A_696 = arith.index_cast %get3A_695 : i32 to index
          %get3A_697 = arith.index_cast %add3A_303 : i32 to index
          %get3A_698 = arith.constant 64 : index
          %get3A_699 = tpu.vector_load %arg7[%get3A_696, %get3A_697, %get3A_698] {strides = array<i32>} : memref<11x32x128xf32, #tpu.memory_space<vmem>>, vector<1x1x16xf32>,
          %get3A_700 = vector.shape_cast %get3A_699 : vector<1x1x16xf32> to vector<16xf32>
          %add3A_701 = arith.addf %add3A_694, %get3A_700 : vector<16xf32>
          %swap3A_702 = arith.index_cast %add3A_303 : i32 to index
          %swap3A_703 = arith.constant 64 : index
          %swap3A_704 = tpu.vector_load %arg8[%swap3A_702, %swap3A_703] {strides = array<i32>} : memref<32x128xf32, #tpu.memory_space<vmem>>, vector<1x16xf32>,
          %swap3A_705 = vector.shape_cast %swap3A_704 : vector<1x16xf32> to vector<16xf32>
          %swap3A_706 = vector.shape_cast %add3A_701 : vector<16xf32> to vector<1x16xf32>
          tpu.vector_store %arg8[%swap3A_702, %swap3A_703], %swap3A_706 {strides = array<i32>} : memref<32x128xf32, #tpu.memory_space<vmem>>, vector<1x16xf32>,
          %get3A_707 = arith.constant 0 : i32
          %get3A_708 = arith.index_cast %get3A_707 : i32 to index
          %get3A_709 = arith.index_cast %add3A_303 : i32 to index
          %get3A_710 = arith.constant 80 : index
          %get3A_711 = tpu.vector_load %arg7[%get3A_708, %get3A_709, %get3A_710] {strides = array<i32>} : memref<11x32x128xf32, #tpu.memory_space<vmem>>, vector<1x1x16xf32>,
          %get3A_712 = vector.shape_cast %get3A_711 : vector<1x1x16xf32> to vector<16xf32>
          %get3A_713 = arith.constant 1 : i32
          %get3A_714 = arith.index_cast %get3A_713 : i32 to index
          %get3A_715 = arith.index_cast %add3A_303 : i32 to index
          %get3A_716 = arith.constant 80 : index
          %get3A_717 = tpu.vector_load %arg7[%get3A_714, %get3A_715, %get3A_716] {strides = array<i32>} : memref<11x32x128xf32, #tpu.memory_space<vmem>>, vector<1x1x16xf32>,
          %get3A_718 = vector.shape_cast %get3A_717 : vector<1x1x16xf32> to vector<16xf32>
          %add3A_719 = arith.addf %get3A_712, %get3A_718 : vector<16xf32>
          %get3A_720 = arith.constant 2 : i32
          %get3A_721 = arith.index_cast %get3A_720 : i32 to index
          %get3A_722 = arith.index_cast %add3A_303 : i32 to index
          %get3A_723 = arith.constant 80 : index
          %get3A_724 = tpu.vector_load %arg7[%get3A_721, %get3A_722, %get3A_723] {strides = array<i32>} : memref<11x32x128xf32, #tpu.memory_space<vmem>>, vector<1x1x16xf32>,
          %get3A_725 = vector.shape_cast %get3A_724 : vector<1x1x16xf32> to vector<16xf32>
          %add3A_726 = arith.addf %add3A_719, %get3A_725 : vector<16xf32>
          %get3A_727 = arith.constant 3 : i32
          %get3A_728 = arith.index_cast %get3A_727 : i32 to index
          %get3A_729 = arith.index_cast %add3A_303 : i32 to index
          %get3A_730 = arith.constant 80 : index
          %get3A_731 = tpu.vector_load %arg7[%get3A_728, %get3A_729, %get3A_730] {strides = array<i32>} : memref<11x32x128xf32, #tpu.memory_space<vmem>>, vector<1x1x16xf32>,
          %get3A_732 = vector.shape_cast %get3A_731 : vector<1x1x16xf32> to vector<16xf32>
          %add3A_733 = arith.addf %add3A_726, %get3A_732 : vector<16xf32>
          %get3A_734 = arith.constant 4 : i32
          %get3A_735 = arith.index_cast %get3A_734 : i32 to index
          %get3A_736 = arith.index_cast %add3A_303 : i32 to index
          %get3A_737 = arith.constant 80 : index
          %get3A_738 = tpu.vector_load %arg7[%get3A_735, %get3A_736, %get3A_737] {strides = array<i32>} : memref<11x32x128xf32, #tpu.memory_space<vmem>>, vector<1x1x16xf32>,
          %get3A_739 = vector.shape_cast %get3A_738 : vector<1x1x16xf32> to vector<16xf32>
          %add3A_740 = arith.addf %add3A_733, %get3A_739 : vector<16xf32>
          %get3A_741 = arith.constant 5 : i32
          %get3A_742 = arith.index_cast %get3A_741 : i32 to index
          %get3A_743 = arith.index_cast %add3A_303 : i32 to index
          %get3A_744 = arith.constant 80 : index
          %get3A_745 = tpu.vector_load %arg7[%get3A_742, %get3A_743, %get3A_744] {strides = array<i32>} : memref<11x32x128xf32, #tpu.memory_space<vmem>>, vector<1x1x16xf32>,
          %get3A_746 = vector.shape_cast %get3A_745 : vector<1x1x16xf32> to vector<16xf32>
          %add3A_747 = arith.addf %add3A_740, %get3A_746 : vector<16xf32>
          %get3A_748 = arith.constant 6 : i32
          %get3A_749 = arith.index_cast %get3A_748 : i32 to index
          %get3A_750 = arith.index_cast %add3A_303 : i32 to index
          %get3A_751 = arith.constant 80 : index
          %get3A_752 = tpu.vector_load %arg7[%get3A_749, %get3A_750, %get3A_751] {strides = array<i32>} : memref<11x32x128xf32, #tpu.memory_space<vmem>>, vector<1x1x16xf32>,
          %get3A_753 = vector.shape_cast %get3A_752 : vector<1x1x16xf32> to vector<16xf32>
          %add3A_754 = arith.addf %add3A_747, %get3A_753 : vector<16xf32>
          %get3A_755 = arith.constant 7 : i32
          %get3A_756 = arith.index_cast %get3A_755 : i32 to index
          %get3A_757 = arith.index_cast %add3A_303 : i32 to index
          %get3A_758 = arith.constant 80 : index
          %get3A_759 = tpu.vector_load %arg7[%get3A_756, %get3A_757, %get3A_758] {strides = array<i32>} : memref<11x32x128xf32, #tpu.memory_space<vmem>>, vector<1x1x16xf32>,
          %get3A_760 = vector.shape_cast %get3A_759 : vector<1x1x16xf32> to vector<16xf32>
          %add3A_761 = arith.addf %add3A_754, %get3A_760 : vector<16xf32>
          %get3A_762 = arith.constant 8 : i32
          %get3A_763 = arith.index_cast %get3A_762 : i32 to index
          %get3A_764 = arith.index_cast %add3A_303 : i32 to index
          %get3A_765 = arith.constant 80 : index
          %get3A_766 = tpu.vector_load %arg7[%get3A_763, %get3A_764, %get3A_765] {strides = array<i32>} : memref<11x32x128xf32, #tpu.memory_space<vmem>>, vector<1x1x16xf32>,
          %get3A_767 = vector.shape_cast %get3A_766 : vector<1x1x16xf32> to vector<16xf32>
          %add3A_768 = arith.addf %add3A_761, %get3A_767 : vector<16xf32>
          %get3A_769 = arith.constant 9 : i32
          %get3A_770 = arith.index_cast %get3A_769 : i32 to index
          %get3A_771 = arith.index_cast %add3A_303 : i32 to index
          %get3A_772 = arith.constant 80 : index
          %get3A_773 = tpu.vector_load %arg7[%get3A_770, %get3A_771, %get3A_772] {strides = array<i32>} : memref<11x32x128xf32, #tpu.memory_space<vmem>>, vector<1x1x16xf32>,
          %get3A_774 = vector.shape_cast %get3A_773 : vector<1x1x16xf32> to vector<16xf32>
          %add3A_775 = arith.addf %add3A_768, %get3A_774 : vector<16xf32>
          %get3A_776 = arith.constant 10 : i32
          %get3A_777 = arith.index_cast %get3A_776 : i32 to index
          %get3A_778 = arith.index_cast %add3A_303 : i32 to index
          %get3A_779 = arith.constant 80 : index
          %get3A_780 = tpu.vector_load %arg7[%get3A_777, %get3A_778, %get3A_779] {strides = array<i32>} : memref<11x32x128xf32, #tpu.memory_space<vmem>>, vector<1x1x16xf32>,
          %get3A_781 = vector.shape_cast %get3A_780 : vector<1x1x16xf32> to vector<16xf32>
          %add3A_782 = arith.addf %add3A_775, %get3A_781 : vector<16xf32>
          %swap3A_783 = arith.index_cast %add3A_303 : i32 to index
          %swap3A_784 = arith.constant 80 : index
          %swap3A_785 = tpu.vector_load %arg8[%swap3A_783, %swap3A_784] {strides = array<i32>} : memref<32x128xf32, #tpu.memory_space<vmem>>, vector<1x16xf32>,
          %swap3A_786 = vector.shape_cast %swap3A_785 : vector<1x16xf32> to vector<16xf32>
          %swap3A_787 = vector.shape_cast %add3A_782 : vector<16xf32> to vector<1x16xf32>
          tpu.vector_store %arg8[%swap3A_783, %swap3A_784], %swap3A_787 {strides = array<i32>} : memref<32x128xf32, #tpu.memory_space<vmem>>, vector<1x16xf32>,
          %get3A_788 = arith.constant 0 : i32
          %get3A_789 = arith.index_cast %get3A_788 : i32 to index
          %get3A_790 = arith.index_cast %add3A_303 : i32 to index
          %get3A_791 = arith.constant 96 : index
          %get3A_792 = tpu.vector_load %arg7[%get3A_789, %get3A_790, %get3A_791] {strides = array<i32>} : memref<11x32x128xf32, #tpu.memory_space<vmem>>, vector<1x1x16xf32>,
          %get3A_793 = vector.shape_cast %get3A_792 : vector<1x1x16xf32> to vector<16xf32>
          %get3A_794 = arith.constant 1 : i32
          %get3A_795 = arith.index_cast %get3A_794 : i32 to index
          %get3A_796 = arith.index_cast %add3A_303 : i32 to index
          %get3A_797 = arith.constant 96 : index
          %get3A_798 = tpu.vector_load %arg7[%get3A_795, %get3A_796, %get3A_797] {strides = array<i32>} : memref<11x32x128xf32, #tpu.memory_space<vmem>>, vector<1x1x16xf32>,
          %get3A_799 = vector.shape_cast %get3A_798 : vector<1x1x16xf32> to vector<16xf32>
          %add3A_800 = arith.addf %get3A_793, %get3A_799 : vector<16xf32>
          %get3A_801 = arith.constant 2 : i32
          %get3A_802 = arith.index_cast %get3A_801 : i32 to index
          %get3A_803 = arith.index_cast %add3A_303 : i32 to index
          %get3A_804 = arith.constant 96 : index
          %get3A_805 = tpu.vector_load %arg7[%get3A_802, %get3A_803, %get3A_804] {strides = array<i32>} : memref<11x32x128xf32, #tpu.memory_space<vmem>>, vector<1x1x16xf32>,
          %get3A_806 = vector.shape_cast %get3A_805 : vector<1x1x16xf32> to vector<16xf32>
          %add3A_807 = arith.addf %add3A_800, %get3A_806 : vector<16xf32>
          %get3A_808 = arith.constant 3 : i32
          %get3A_809 = arith.index_cast %get3A_808 : i32 to index
          %get3A_810 = arith.index_cast %add3A_303 : i32 to index
          %get3A_811 = arith.constant 96 : index
          %get3A_812 = tpu.vector_load %arg7[%get3A_809, %get3A_810, %get3A_811] {strides = array<i32>} : memref<11x32x128xf32, #tpu.memory_space<vmem>>, vector<1x1x16xf32>,
          %get3A_813 = vector.shape_cast %get3A_812 : vector<1x1x16xf32> to vector<16xf32>
          %add3A_814 = arith.addf %add3A_807, %get3A_813 : vector<16xf32>
          %get3A_815 = arith.constant 4 : i32
          %get3A_816 = arith.index_cast %get3A_815 : i32 to index
          %get3A_817 = arith.index_cast %add3A_303 : i32 to index
          %get3A_818 = arith.constant 96 : index
          %get3A_819 = tpu.vector_load %arg7[%get3A_816, %get3A_817, %get3A_818] {strides = array<i32>} : memref<11x32x128xf32, #tpu.memory_space<vmem>>, vector<1x1x16xf32>,
          %get3A_820 = vector.shape_cast %get3A_819 : vector<1x1x16xf32> to vector<16xf32>
          %add3A_821 = arith.addf %add3A_814, %get3A_820 : vector<16xf32>
          %get3A_822 = arith.constant 5 : i32
          %get3A_823 = arith.index_cast %get3A_822 : i32 to index
          %get3A_824 = arith.index_cast %add3A_303 : i32 to index
          %get3A_825 = arith.constant 96 : index
          %get3A_826 = tpu.vector_load %arg7[%get3A_823, %get3A_824, %get3A_825] {strides = array<i32>} : memref<11x32x128xf32, #tpu.memory_space<vmem>>, vector<1x1x16xf32>,
          %get3A_827 = vector.shape_cast %get3A_826 : vector<1x1x16xf32> to vector<16xf32>
          %add3A_828 = arith.addf %add3A_821, %get3A_827 : vector<16xf32>
          %get3A_829 = arith.constant 6 : i32
          %get3A_830 = arith.index_cast %get3A_829 : i32 to index
          %get3A_831 = arith.index_cast %add3A_303 : i32 to index
          %get3A_832 = arith.constant 96 : index
          %get3A_833 = tpu.vector_load %arg7[%get3A_830, %get3A_831, %get3A_832] {strides = array<i32>} : memref<11x32x128xf32, #tpu.memory_space<vmem>>, vector<1x1x16xf32>,
          %get3A_834 = vector.shape_cast %get3A_833 : vector<1x1x16xf32> to vector<16xf32>
          %add3A_835 = arith.addf %add3A_828, %get3A_834 : vector<16xf32>
          %get3A_836 = arith.constant 7 : i32
          %get3A_837 = arith.index_cast %get3A_836 : i32 to index
          %get3A_838 = arith.index_cast %add3A_303 : i32 to index
          %get3A_839 = arith.constant 96 : index
          %get3A_840 = tpu.vector_load %arg7[%get3A_837, %get3A_838, %get3A_839] {strides = array<i32>} : memref<11x32x128xf32, #tpu.memory_space<vmem>>, vector<1x1x16xf32>,
          %get3A_841 = vector.shape_cast %get3A_840 : vector<1x1x16xf32> to vector<16xf32>
          %add3A_842 = arith.addf %add3A_835, %get3A_841 : vector<16xf32>
          %get3A_843 = arith.constant 8 : i32
          %get3A_844 = arith.index_cast %get3A_843 : i32 to index
          %get3A_845 = arith.index_cast %add3A_303 : i32 to index
          %get3A_846 = arith.constant 96 : index
          %get3A_847 = tpu.vector_load %arg7[%get3A_844, %get3A_845, %get3A_846] {strides = array<i32>} : memref<11x32x128xf32, #tpu.memory_space<vmem>>, vector<1x1x16xf32>,
          %get3A_848 = vector.shape_cast %get3A_847 : vector<1x1x16xf32> to vector<16xf32>
          %add3A_849 = arith.addf %add3A_842, %get3A_848 : vector<16xf32>
          %get3A_850 = arith.constant 9 : i32
          %get3A_851 = arith.index_cast %get3A_850 : i32 to index
          %get3A_852 = arith.index_cast %add3A_303 : i32 to index
          %get3A_853 = arith.constant 96 : index
          %get3A_854 = tpu.vector_load %arg7[%get3A_851, %get3A_852, %get3A_853] {strides = array<i32>} : memref<11x32x128xf32, #tpu.memory_space<vmem>>, vector<1x1x16xf32>,
          %get3A_855 = vector.shape_cast %get3A_854 : vector<1x1x16xf32> to vector<16xf32>
          %add3A_856 = arith.addf %add3A_849, %get3A_855 : vector<16xf32>
          %get3A_857 = arith.constant 10 : i32
          %get3A_858 = arith.index_cast %get3A_857 : i32 to index
          %get3A_859 = arith.index_cast %add3A_303 : i32 to index
          %get3A_860 = arith.constant 96 : index
          %get3A_861 = tpu.vector_load %arg7[%get3A_858, %get3A_859, %get3A_860] {strides = array<i32>} : memref<11x32x128xf32, #tpu.memory_space<vmem>>, vector<1x1x16xf32>,
          %get3A_862 = vector.shape_cast %get3A_861 : vector<1x1x16xf32> to vector<16xf32>
          %add3A_863 = arith.addf %add3A_856, %get3A_862 : vector<16xf32>
          %swap3A_864 = arith.index_cast %add3A_303 : i32 to index
          %swap3A_865 = arith.constant 96 : index
          %swap3A_866 = tpu.vector_load %arg8[%swap3A_864, %swap3A_865] {strides = array<i32>} : memref<32x128xf32, #tpu.memory_space<vmem>>, vector<1x16xf32>,
          %swap3A_867 = vector.shape_cast %swap3A_866 : vector<1x16xf32> to vector<16xf32>
          %swap3A_868 = vector.shape_cast %add3A_863 : vector<16xf32> to vector<1x16xf32>
          tpu.vector_store %arg8[%swap3A_864, %swap3A_865], %swap3A_868 {strides = array<i32>} : memref<32x128xf32, #tpu.memory_space<vmem>>, vector<1x16xf32>,
          %get3A_869 = arith.constant 0 : i32
          %get3A_870 = arith.index_cast %get3A_869 : i32 to index
          %get3A_871 = arith.index_cast %add3A_303 : i32 to index
          %get3A_872 = arith.constant 112 : index
          %get3A_873 = tpu.vector_load %arg7[%get3A_870, %get3A_871, %get3A_872] {strides = array<i32>} : memref<11x32x128xf32, #tpu.memory_space<vmem>>, vector<1x1x16xf32>,
          %get3A_874 = vector.shape_cast %get3A_873 : vector<1x1x16xf32> to vector<16xf32>
          %get3A_875 = arith.constant 1 : i32
          %get3A_876 = arith.index_cast %get3A_875 : i32 to index
          %get3A_877 = arith.index_cast %add3A_303 : i32 to index
          %get3A_878 = arith.constant 112 : index
          %get3A_879 = tpu.vector_load %arg7[%get3A_876, %get3A_877, %get3A_878] {strides = array<i32>} : memref<11x32x128xf32, #tpu.memory_space<vmem>>, vector<1x1x16xf32>,
          %get3A_880 = vector.shape_cast %get3A_879 : vector<1x1x16xf32> to vector<16xf32>
          %add3A_881 = arith.addf %get3A_874, %get3A_880 : vector<16xf32>
          %get3A_882 = arith.constant 2 : i32
          %get3A_883 = arith.index_cast %get3A_882 : i32 to index
          %get3A_884 = arith.index_cast %add3A_303 : i32 to index
          %get3A_885 = arith.constant 112 : index
          %get3A_886 = tpu.vector_load %arg7[%get3A_883, %get3A_884, %get3A_885] {strides = array<i32>} : memref<11x32x128xf32, #tpu.memory_space<vmem>>, vector<1x1x16xf32>,
          %get3A_887 = vector.shape_cast %get3A_886 : vector<1x1x16xf32> to vector<16xf32>
          %add3A_888 = arith.addf %add3A_881, %get3A_887 : vector<16xf32>
          %get3A_889 = arith.constant 3 : i32
          %get3A_890 = arith.index_cast %get3A_889 : i32 to index
          %get3A_891 = arith.index_cast %add3A_303 : i32 to index
          %get3A_892 = arith.constant 112 : index
          %get3A_893 = tpu.vector_load %arg7[%get3A_890, %get3A_891, %get3A_892] {strides = array<i32>} : memref<11x32x128xf32, #tpu.memory_space<vmem>>, vector<1x1x16xf32>,
          %get3A_894 = vector.shape_cast %get3A_893 : vector<1x1x16xf32> to vector<16xf32>
          %add3A_895 = arith.addf %add3A_888, %get3A_894 : vector<16xf32>
          %get3A_896 = arith.constant 4 : i32
          %get3A_897 = arith.index_cast %get3A_896 : i32 to index
          %get3A_898 = arith.index_cast %add3A_303 : i32 to index
          %get3A_899 = arith.constant 112 : index
          %get3A_900 = tpu.vector_load %arg7[%get3A_897, %get3A_898, %get3A_899] {strides = array<i32>} : memref<11x32x128xf32, #tpu.memory_space<vmem>>, vector<1x1x16xf32>,
          %get3A_901 = vector.shape_cast %get3A_900 : vector<1x1x16xf32> to vector<16xf32>
          %add3A_902 = arith.addf %add3A_895, %get3A_901 : vector<16xf32>
          %get3A_903 = arith.constant 5 : i32
          %get3A_904 = arith.index_cast %get3A_903 : i32 to index
          %get3A_905 = arith.index_cast %add3A_303 : i32 to index
          %get3A_906 = arith.constant 112 : index
          %get3A_907 = tpu.vector_load %arg7[%get3A_904, %get3A_905, %get3A_906] {strides = array<i32>} : memref<11x32x128xf32, #tpu.memory_space<vmem>>, vector<1x1x16xf32>,
          %get3A_908 = vector.shape_cast %get3A_907 : vector<1x1x16xf32> to vector<16xf32>
          %add3A_909 = arith.addf %add3A_902, %get3A_908 : vector<16xf32>
          %get3A_910 = arith.constant 6 : i32
          %get3A_911 = arith.index_cast %get3A_910 : i32 to index
          %get3A_912 = arith.index_cast %add3A_303 : i32 to index
          %get3A_913 = arith.constant 112 : index
          %get3A_914 = tpu.vector_load %arg7[%get3A_911, %get3A_912, %get3A_913] {strides = array<i32>} : memref<11x32x128xf32, #tpu.memory_space<vmem>>, vector<1x1x16xf32>,
          %get3A_915 = vector.shape_cast %get3A_914 : vector<1x1x16xf32> to vector<16xf32>
          %add3A_916 = arith.addf %add3A_909, %get3A_915 : vector<16xf32>
          %get3A_917 = arith.constant 7 : i32
          %get3A_918 = arith.index_cast %get3A_917 : i32 to index
          %get3A_919 = arith.index_cast %add3A_303 : i32 to index
          %get3A_920 = arith.constant 112 : index
          %get3A_921 = tpu.vector_load %arg7[%get3A_918, %get3A_919, %get3A_920] {strides = array<i32>} : memref<11x32x128xf32, #tpu.memory_space<vmem>>, vector<1x1x16xf32>,
          %get3A_922 = vector.shape_cast %get3A_921 : vector<1x1x16xf32> to vector<16xf32>
          %add3A_923 = arith.addf %add3A_916, %get3A_922 : vector<16xf32>
          %get3A_924 = arith.constant 8 : i32
          %get3A_925 = arith.index_cast %get3A_924 : i32 to index
          %get3A_926 = arith.index_cast %add3A_303 : i32 to index
          %get3A_927 = arith.constant 112 : index
          %get3A_928 = tpu.vector_load %arg7[%get3A_925, %get3A_926, %get3A_927] {strides = array<i32>} : memref<11x32x128xf32, #tpu.memory_space<vmem>>, vector<1x1x16xf32>,
          %get3A_929 = vector.shape_cast %get3A_928 : vector<1x1x16xf32> to vector<16xf32>
          %add3A_930 = arith.addf %add3A_923, %get3A_929 : vector<16xf32>
          %get3A_931 = arith.constant 9 : i32
          %get3A_932 = arith.index_cast %get3A_931 : i32 to index
          %get3A_933 = arith.index_cast %add3A_303 : i32 to index
          %get3A_934 = arith.constant 112 : index
          %get3A_935 = tpu.vector_load %arg7[%get3A_932, %get3A_933, %get3A_934] {strides = array<i32>} : memref<11x32x128xf32, #tpu.memory_space<vmem>>, vector<1x1x16xf32>,
          %get3A_936 = vector.shape_cast %get3A_935 : vector<1x1x16xf32> to vector<16xf32>
          %add3A_937 = arith.addf %add3A_930, %get3A_936 : vector<16xf32>
          %get3A_938 = arith.constant 10 : i32
          %get3A_939 = arith.index_cast %get3A_938 : i32 to index
          %get3A_940 = arith.index_cast %add3A_303 : i32 to index
          %get3A_941 = arith.constant 112 : index
          %get3A_942 = tpu.vector_load %arg7[%get3A_939, %get3A_940, %get3A_941] {strides = array<i32>} : memref<11x32x128xf32, #tpu.memory_space<vmem>>, vector<1x1x16xf32>,
          %get3A_943 = vector.shape_cast %get3A_942 : vector<1x1x16xf32> to vector<16xf32>
          %add3A_944 = arith.addf %add3A_937, %get3A_943 : vector<16xf32>
          %swap3A_945 = arith.index_cast %add3A_303 : i32 to index
          %swap3A_946 = arith.constant 112 : index
          %swap3A_947 = tpu.vector_load %arg8[%swap3A_945, %swap3A_946] {strides = array<i32>} : memref<32x128xf32, #tpu.memory_space<vmem>>, vector<1x16xf32>,
          %swap3A_948 = vector.shape_cast %swap3A_947 : vector<1x16xf32> to vector<16xf32>
          %swap3A_949 = vector.shape_cast %add3A_944 : vector<16xf32> to vector<1x16xf32>
          tpu.vector_store %arg8[%swap3A_945, %swap3A_946], %swap3A_949 {strides = array<i32>} : memref<32x128xf32, #tpu.memory_space<vmem>>, vector<1x16xf32>,
        }
        %scan3A_291 = arith.constant 32 : i32
        %mul3A_292 = arith.constant 129 : i32
        %mul3A_293 = arith.muli %add3A_12, %mul3A_292 : i32
        %add3A_294 = arith.constant 1 : i32
        %add3A_295 = arith.addi %mul3A_293, %add3A_294 : i32
        %mul3A_296 = arith.constant 32 : i32
        %mul3A_297 = arith.muli %add3A_24, %mul3A_296 : i32
        %add3A_298 = arith.addi %add3A_295, %mul3A_297 : i32
        "tpu.region"() ({
          %run_scoped3A = tpu.sem_alloc : memref<!tpu.dma_semaphore, #tpu.memory_space<semaphore_mem>>
          %dma_start3A_299 = arith.constant 0 : i32
          %dma_start3A_300 = tpu.memref_slice %arg5[%add3A_298, %dma_start3A_299] : memref<33024x128xf32, #tpu.memory_space<hbm>> -> memref<32x128xf32, #tpu.memory_space<hbm>>
          %dma_start3A_301 = arith.constant 0 : i32
          %dma_start3A_302 = tpu.memref_slice %arg5[%add3A_298, %dma_start3A_301] : memref<33024x128xf32, #tpu.memory_space<hbm>> -> memref<32x128xf32, #tpu.memory_space<hbm>>
          tpu.enqueue_dma source(%arg8 : memref<32x128xf32, #tpu.memory_space<vmem>>) target(%dma_start3A_302 : memref<32x128xf32, #tpu.memory_space<hbm>>) target_semaphore(%run_scoped3A : memref<!tpu.dma_semaphore, #tpu.memory_space<semaphore_mem>>)
          %dma_wait3A_303 = arith.constant 0 : i32
          %dma_wait3A_304 = tpu.memref_slice %arg5[%add3A_298, %dma_wait3A_303] : memref<33024x128xf32, #tpu.memory_space<hbm>> -> memref<32x128xf32, #tpu.memory_space<hbm>>
          %dma_wait3A_305 = arith.constant 0 : i32
          %dma_wait3A_306 = tpu.memref_slice %arg5[%add3A_298, %dma_wait3A_305] : memref<33024x128xf32, #tpu.memory_space<hbm>> -> memref<32x128xf32, #tpu.memory_space<hbm>>
          tpu.wait_dma2 semaphore(%run_scoped3A : memref<!tpu.dma_semaphore, #tpu.memory_space<semaphore_mem>>) src(%arg8 : memref<32x128xf32, #tpu.memory_space<vmem>>) dst(%dma_wait3A_306 : memref<32x128xf32, #tpu.memory_space<hbm>>)
          tpu.yield
        }) : () -> ()
      }
      %scan3A_19 = arith.constant 4 : i32
    }
    %scan3A_4 = arith.constant 8 : i32
    return
  }
}

</mosaic_0001>

<sc_bundles>
// kernel: kernel.3.cloned.1.call-start
scs
__scs_entry_jumppad:
0x0: {  	(pc) =	sbr.rel $0x88, $3  }
0x1: {  	(tag) =	ssettag $0x0;
	lr =	simm.s32 $0x1  }
0x2: {  	[smem:$0x3F9A] =	sst lr;
	_ =	strace $0xD0000000  }
0x3: {  	_ = 	snop  }
0x4: {  	_ = 	snop  }
0x5: {  	_ = 	snop  }
0x6: {  	_ = 	snop  }
0x7: {  	_ = 	snop  }
__scs_overlays_trampoline_lowered:
0x8: {  	[smem:$0x3FA9] =	sst s0  }
0x9: {  	[smem:$0x3FAA] =	sst s1  }
0xa: {  	[smem:$0x3FAB] =	sst s2  }
0xb: {  	[smem:$0x3FAC] =	sst s3  }
0xc: {  	[smem:$0x3FAD] =	sst s4  }
0xd: {  	[smem:$0x3FAE] =	sst s5  }
0xe: {  	[smem:$0x3FAF] =	sst s6  }
0xf: {  	[smem:$0x3FB0] =	sst s7  }
0x10: {  	[smem:$0x3FB1] =	sst s8  }
0x11: {  	[smem:$0x3FB2] =	sst s9;
	s0 =	simm.s32 @!p0 $0x0  }
0x12: {  	s1 =	sld [smem:$0x3F98];
	s0 =	simm.s32 @p0 $0x1  }
0x13: {  	[smem:$0x3FB3] =	sst s0;
	s0 =	simm.s32 @!p1 $0x0  }
0x14: {  	s2 =	sld [smem:$0x3F97];
	s0 =	simm.s32 @p1 $0x1  }
0x15: {  	[smem:$0x3FB4] =	sst s0;
	s0 =	simm.s32 @!p2 $0x0  }
0x16: {  	s3 =	sld [smem:$0x3FDB];
	s0 =	simm.s32 @p2 $0x1  }
0x17: {  	s4 =	simm.s32 $0x1BF5;
	[smem:$0x3FB6] =	sst s0  }
0x18: {  	s0 =	sld [smem:$0x3F99];
	_ =	swait.ge [sflag:s4], $0x0  }
0x19: {  	s7 =	sld [smem:$0x3F9A]  }
0x1a: {  	s8 =	sadd.s32 $0xFFFFE003, lr  }
0x1b: {  	s9 =	sadd.s32 $0xFFFFFEF7, lr;
	s5 =	simm.s32 $0xFFFFFFFF;
	p2 =	slt.u32 s8, $0xFFFFF086  }
0x1c: {  	p1 =	slt.u32 s9, $0xF7A;
	s5 =	simm.s32 @!p2 $0x0  }
0x1d: {  	s5 =	simm.s32 @p1 $0x1;
	p0 =	seq.s32 s7, s2  }
0x1e: {  	s7 =	smul.u32 @!p0 $0xF7A, s2;
	p2 =	seq.s32 @!p0 s5, $0x0  }
0x1f: {  	s9 =	smul.u32 $0xF7A, s1;
	s8 =	simm.s32 @!p0 $0x1BF5;
	p2 =	por !p2, p0  }
0x20: {  	[sflag:s8] =	ssyncset.s32 @!p0 $0xFFFFF086;
	s6 =	sadd.s32 @!p0 s3, s7;
	s7 =	simm.s32 @!p0 $0x108  }
0x21: {  	s3 =	sadd.s32 s3, s9;
	s6 =	sadd.s32 @!p0 $0x88, s6;
	s7 =	simm.s32 @p2 $0x1082  }
0x22: {  	[simem:s7], [sflag:s8] =	dma.local @!p0 [hbm:s6], $0xF7A  }
0x23: {  	s9 =	sor.u32 $0xD0000000, s2;
	s6 =	simm.s32 $0x108;
	_ =	swait.ge @!p0 [sflag:s8], $0x0  }
0x24: {  	s3 =	sadd.s32 $0x88, s3;
	s6 =	simm.s32 @!p1 $0x1082;
	[sflag:s4] =	ssyncset.s32 $0xFFFFF086  }
0x25: {  	[simem:s6], [sflag:s4] =	dma.local [hbm:s3], $0xF7A  }
0x26: {  	[smem:$0x3F9A] =	sst s1;
	(tag) =	ssettag s2;
	_ =	strace s9  }
0x27: {  	s1 =	sld [smem:$0x3FAA]  }
0x28: {  	s2 =	sld [smem:$0x3FAB]  }
0x29: {  	s4 =	sld [smem:$0x3FAD]  }
0x2a: {  	p0 =	seq.s32 s5, $0x0;
	s5 =	sld [smem:$0x3FAE]  }
0x2b: {  	s6 =	sld [smem:$0x3FAF]  }
0x2c: {  	s7 =	sld [smem:$0x3FB0]  }
0x2d: {  	s3 =	simm.s32 $0x108;
	s8 =	sld [smem:$0x3FB1]  }
0x2e: {  	s3 =	simm.s32 @!p0 $0x1082;
	s9 =	sld [smem:$0x3FB2]  }
0x2f: {  	lr =	sadd.s32 s0, s3;
	s0 =	sld [smem:$0x3FA9]  }
0x30: {  	s3 =	sld [smem:$0x3FAC]  }
0x31: {  	[smem:$0x3FB5] =	sst s10  }
0x32: {  	s10 =	sld [smem:$0x3FB3];
	_ =	sdelay $0x3  }
0x33: {  	p0 =	seq.s32 s10, $0x1;
	s10 =	sld [smem:$0x3FB5];
	_ =	sdelay $0x3  }
0x34: {  	[smem:$0x3FB5] =	sst s10  }
0x35: {  	s10 =	sld [smem:$0x3FB4];
	_ =	sdelay $0x3  }
0x36: {  	p1 =	seq.s32 s10, $0x1;
	s10 =	sld [smem:$0x3FB5];
	_ =	sdelay $0x3  }
0x37: {  	[smem:$0x3FB5] =	sst s10  }
0x38: {  	s10 =	sld [smem:$0x3FB6]  }
0x39: {  	_ = 	snop;
	(pc) =	sbr.ind lr, $3  }
0x3a: {  	_ = 	snop  }
0x3b: {  	_ = 	snop  }
0x3c: {  	p2 =	seq.s32 s10, $0x1;
	s10 =	sld [smem:$0x3FB5]  }
0x3d: {  	_ =	shalt  }
0x3e: {  	_ =	shalt  }
0x3f: {  	_ =	shalt  }
0x40: {  	_ =	shalt  }
0x41: {  	_ =	shalt  }
0x42: {  	_ =	shalt  }
0x43: {  	_ =	shalt  }
0x44: {  	_ =	shalt  }
0x45: {  	_ =	shalt  }
0x46: {  	_ =	shalt  }
0x47: {  	_ =	shalt  }
0x48: {  	_ =	shalt  }
0x49: {  	_ =	shalt  }
0x4a: {  	_ =	shalt  }
0x4b: {  	_ =	shalt  }
0x4c: {  	_ =	shalt  }
0x4d: {  	_ =	shalt  }
0x4e: {  	_ =	shalt  }
0x4f: {  	_ =	shalt  }
0x50: {  	_ =	shalt  }
0x51: {  	_ =	shalt  }
0x52: {  	_ =	shalt  }
0x53: {  	_ =	shalt  }
0x54: {  	_ =	shalt  }
0x55: {  	_ =	shalt  }
0x56: {  	_ =	shalt  }
0x57: {  	_ =	shalt  }
0x58: {  	_ =	shalt  }
0x59: {  	_ =	shalt  }
0x5a: {  	_ =	shalt  }
0x5b: {  	_ =	shalt  }
0x5c: {  	_ =	shalt  }
0x5d: {  	_ =	shalt  }
0x5e: {  	_ =	shalt  }
0x5f: {  	_ =	shalt  }
0x60: {  	_ =	shalt  }
0x61: {  	_ =	shalt  }
0x62: {  	_ =	shalt  }
0x63: {  	_ =	shalt  }
0x64: {  	_ =	shalt  }
0x65: {  	_ =	shalt  }
0x66: {  	_ =	shalt  }
0x67: {  	_ =	shalt  }
0x68: {  	_ =	shalt  }
0x69: {  	_ =	shalt  }
0x6a: {  	_ =	shalt  }
0x6b: {  	_ =	shalt  }
0x6c: {  	_ =	shalt  }
0x6d: {  	_ =	shalt  }
0x6e: {  	_ =	shalt  }
0x6f: {  	_ =	shalt  }
0x70: {  	_ =	shalt  }
0x71: {  	_ =	shalt  }
0x72: {  	_ =	shalt  }
0x73: {  	_ =	shalt  }
0x74: {  	_ =	shalt  }
0x75: {  	_ =	shalt  }
0x76: {  	_ =	shalt  }
0x77: {  	_ =	shalt  }
0x78: {  	_ =	shalt  }
0x79: {  	_ =	shalt  }
0x7a: {  	_ =	shalt  }
0x7b: {  	_ =	shalt  }
0x7c: {  	_ =	shalt  }
0x7d: {  	_ =	shalt  }
0x7e: {  	_ =	shalt  }
0x7f: {  	_ =	shalt  }
0x80: {  	_ =	shalt  }
0x81: {  	_ =	shalt  }
0x82: {  	_ =	shalt  }
0x83: {  	_ =	shalt  }
0x84: {  	_ =	shalt  }
0x85: {  	_ =	shalt  }
0x86: {  	_ =	shalt  }
0x87: {  	_ =	shalt  }
.Lfunc_end0:
.L_simem_size_0:
called_computation_lowered:
.L_overlay_start_0:
0x88: {  	s2 =	sld [smem:$0x3FD9]  }
0x89: {  	s3 =	sld [smem:$0x3FFE];
	_ =	sdelay $0x1  }
0x8a: {  	s1 =	srdreg.scid  }
0x8b: {  	s0 =	sand.u32 $0x1, s1  }
0x8c: {  	s17 =	sshll.u32 s0, $0xA;
	s2 =	sadd.s32 s3, s2  }
0x8d: {  	s2 =	sadd.s32 s2, s17  }
0x8e: {  	[smem:$0x3FC1] =	sst s2  }
0x8f: {  	_ = 	snop  }
0x90: {  	s2 =	sld [smem:$0x3FC3]  }
0x91: {  	s18 =	sld [smem:$0x3FD0];
	(tm) =	ssettm $0x1  }
0x92: {  	s4 =	sld [smem:$0x3FFB];
	_ =	sdelay $0x3  }
0x93: {  	_ =	strace s4  }
0x94: {  	s4 =	sld [smem:$0x3FFC];
	_ =	sdelay $0x3  }
0x95: {  	_ =	strace s4  }
0x96: {  	s4 =	sld [smem:$0x3FFD];
	_ =	sdelay $0x3  }
0x97: {  	_ =	strace s4  }
0x98: {  	_ =	strace $0x8FFFFFFF  }
0x99: {  	s19 =	sld [smem:$0x3FDB];
	_ =	sdelay $0x1  }
0x9a: {  	s5 =	simm.s32 $_scs_section_size  }
0x9b: {  	s6 =	simm.s32 $_size__tile_overlayer_lowered;
	s7 =	simm.s32 $_tile_overlayer_lowered  }
0x9c: {  	s22 =	simm.s32 $0x1BFF;
	s21 =	sshll.u32 s7, $0x1;
	s4 =	sadd.s32 s5, s19  }
0x9d: {  	s8 =	simm.s32 $0x0;
	s20 =	sshll.u32 s6, $0x1;
	s6 =	sadd.s32 s21, s4  }
0x9e: {  	[timem:s8], [sflag:s22] =	dma.local [hbm:s6], s20  }
0x9f: {  	_ =	swait.ge [sflag:s22], s20  }
0xa0: {  	s5 =	ssub.s32 $0x0, s20;
	[sflag:s22] =	ssyncset.done $0x0  }
0xa1: {  	[sflag:s22] =	ssyncadd.s32 s5;
	_ =	sdelay $0x1  }
0xa2: {  	s23 =	simm.s32 $0x1B8B  }
0xa3: {  	_ =	swait.ge [sflag:s23], $0x1  }
0xa4: {  	[sflag:s23] =	ssyncset.done $0x0  }
0xa5: {  	s25 =	simm.s32 $0x1B8E;
	s24 =	sld [smem:$0x3FFE];
	[sflag:s23] =	ssyncadd.s32 $0xFFFFFFFF  }
0xa6: {  	s26 =	simm.s32 $execute0_lowered;
	[smem:$0x3FD2] =	sst s25  }
0xa7: {  	s6 =	sshll.u32 s26, $0x1;
	_ =	strace $0x80000046;
	[dreg:$0x1] =	wrdreg $0xFFFFFFFF  }
0xa8: {  	s28 =	simm.s32 $_size_execute0_lowered;
	s4 =	sadd.s32 s4, s6;
	[dreg:$0x0] =	wrdreg $0x0  }
0xa9: {  	s6 =	sshll.u32 s28, $0x1;
	[dreg:$0x2] =	wrdreg s4  }
0xaa: {  	[dreg:$0x3] =	wrdreg s6  }
0xab: {  	[dreg:$0x4] =	wrdreg $0xC0  }
0xac: {  	_ =	task [dreg:s8], $0x5FFFF  }
0xad: {  	[dreg:$0x1] =	wrdreg $0xFFFFFFFF  }
0xae: {  	[dreg:$0x0] =	wrdreg $0x60  }
0xaf: {  	[dreg:$0x2] =	wrdreg s24  }
0xb0: {  	[dreg:$0x3] =	wrdreg s2  }
0xb1: {  	[dreg:$0x4] =	wrdreg s18  }
0xb2: {  	[dreg:$0x5] =	wrdreg $0x9  }
0xb3: {  	_ =	task.clear_ibuf [dreg:s8], $0x6FFFF;
	_ =	strace $0x90000046  }
0xb4: {  	s29 =	simm.s32 $0x9;
	_ =	strace $0x80000048  }
0xb5: {  	_ =	swait.ge [sflag:s29], $0x1  }
0xb6: {  	[sflag:s29] =	ssyncadd.s32 $0xFFFFFFFF  }
0xb7: {  	_ =	strace $0x90000048  }
0xb8: {  	_ =	sfence  }
0xb9: {  	s30 =	sld [smem:$0x0];
	_ =	sdelay $0x2  }
0xba: {  	s31 =	sshll.u32 s1, $0xD;
	s1 =	sshrl.u32 s1, $0x2  }
0xbb: {  	s3 =	sand.u32 $0x4000, s31;
	s1 =	sadd.s32 s1, s30  }
0xbc: {  	s0 =	sor.u32 s3, s0;
	s1 =	sshll.u32 s1, $0x11  }
0xbd: {  	s0 =	sor.u32 s1, s0  }
0xbe: {  	s0 =	sadd.s32 $0x8F2B, s0  }
0xbf: {  	[sflag:s0] =	ssyncadd.remote.s32 $0x1  }
0xc0: {  	_ =	sfence.sel $0xFFFF  }
0xc1: {  	[dreg:$0x0] =	wrdreg $0xFFFFFFFF;
	(pc) =	sbr.abs _section_cstart, $3  }
0xc2: {  	[dreg:$0x1] =	wrdreg $0xFFFFFFFF  }
0xc3: {  	_ =	task.clear_ibuf [dreg:s8], $0x2FFFF;
	_ =	strace $0x9FFFFFFF  }
0xc4: {  	(tm) =	ssettm $0x7FFFFFFF  }
0xc5: {  	_ =	shalt  }
tec
execute0_lowered:
.L_overlay_start_1:
0x0: {  	(tag) =	ssettag $0x1  }
0x1: {  	s0 =	rddreg [dreg:$0x0]  }
0x2: {  	s1 =	rddreg [dreg:$0x1]  }
0x3: {  	s2 =	rddreg [dreg:$0x2];
	s3 =	simm.s32 $0x0;
	s4 =	srdreg.scid  }
0x4: {  	s11 =	simm.s32 $0x20;
	s12 =	simm.s32 $0x580;
	s13 =	simm.s32 $0x1580  }
0x5: {  	s14 =	simm.s32 $0x2580;
	s15 =	simm.s32 $0x3580;
	s16 =	simm.s32 $0x4580  }
0x6: {  	s17 =	simm.s32 $0x5580;
	s18 =	simm.s32 $0x6580;
	s19 =	simm.s32 $0x7580  }
0x7: {  	s20 =	simm.s32 $0x8580;
	s21 =	simm.s32 $0x9580;
	s22 =	simm.s32 $0xA580  }
0x8: {  	s23 =	simm.s32 $0x1;
	s24 =	simm.s32 $0xB580;
	s25 =	simm.s32 $0x0  }
0x9: {  	[smem:$0x7FF] =	sst s3;
	s6 =	sand.u32 $0x1, s4;
	s5 =	sadd.s32 $0xBA00, s0  }
0xa: {  	s4 =	stileid.u32;
	_ =	strace $0x80000047;
	s7 =	ssub.s32 $0x2, s6  }
0xb: {  	s9 =	sshll.u32 s4, $0x4;
	s10 =	sshll.u32 s6, $0x3;
	s8 =	sshrl.u32 s7, $0x1  }
0xc: {  	s6 =	sadd.s32 $0xA00, s0;
	s31 =	ssub.s32 s7, s8;
	s7 =	sor.u32 s10, s9  }
0xd: {  	s9 =	simm.s32 $0xC580;
	s10 =	simm.s32 $0x2;
	s8 =	smax.u32 s31, $0x1  }
.LBB2_1:
0xe: {  	[tilespmem:s9], [sflag:$0x2] =	stream.linear.gather [hbm4b:s1+s3], $0x80, $0x38;
	[tilespmem:$0xC600] =	vst v63  }
0xf: {  	_ =	swait.ge [sflag:s10], $0x80  }
0x10: {  	[sflag:s10] =	ssyncset.done $0x0  }
0x11: {  	s26 =	simm.s32 $0x0;
	[sflag:s10] =	ssyncadd.s32 $0xFFFFFF80  }
.LBB2_2:
0x12: {  	s0 =	sadd.s32 s7, s26  }
0x13: {  	s28 =	smul.u32 $0xB0, s0;
	_ =	sdelay $0x1  }
0x14: {  	s29 =	sadd.s32 s6, s28;
	s28 =	simm.s32 $0x0  }
0x15: {  	[tilespmem:s28], [sflag:$0x2] =	stream.linear.gather [hbm4b:s29+s28], $0x580, $0x38;
	[tilespmem:$0xC600] =	vst v63  }
0x16: {  	s29 =	smul.u32 $0x810, s0;
	_ =	swait.ge [sflag:s10], $0x580  }
0x17: {  	[sflag:s10] =	ssyncset.done $0x0  }
0x18: {  	s29 =	sadd.s32 s2, s29;
	[sflag:s10] =	ssyncadd.s32 $0xFFFFFA80  }
0x19: {  	[hbm4b:s29+s28] =	stream.linear.scatter [tilespmem:s9], [sflag:$0x2], $0x80, $0x38;
	[tilespmem:$0xC600] =	vst v63  }
0x1a: {  	s0 =	smul.u32 $0x4080, s0;
	_ =	swait.ge [sflag:s10], $0x80  }
0x1b: {  	[sflag:s10] =	ssyncset.done $0x0  }
0x1c: {  	s29 =	sadd.s32 $0x80, s0;
	[sflag:s10] =	ssyncadd.s32 $0xFFFFFF80  }
.LBB2_3:
0x1d: {  	s0 =	smul.u32 $0x580, s28;
	_ =	sdelay $0x1  }
0x1e: {  	s0 =	sshra.s32 s0, $0x2  }
0x1f: {  	[tilespmem:s12], [sflag:$0x1] =	stream.indirect.gather [hbm4b:s5+s11], $0x80, s0, s11, $0xb8;
	[tilespmem:$0xC600] =	vst v63  }
0x20: {  	s30 =	sadd.s32 $0x20, s0  }
0x21: {  	[tilespmem:s13], [sflag:$0x1] =	stream.indirect.gather [hbm4b:s5+s11], $0x80, s30, s11, $0xb8;
	[tilespmem:$0xC600] =	vst v63  }
0x22: {  	s30 =	sadd.s32 $0x40, s0  }
0x23: {  	[tilespmem:s14], [sflag:$0x1] =	stream.indirect.gather [hbm4b:s5+s11], $0x80, s30, s11, $0xb8;
	[tilespmem:$0xC600] =	vst v63  }
0x24: {  	s30 =	sadd.s32 $0x60, s0  }
0x25: {  	[tilespmem:s15], [sflag:$0x1] =	stream.indirect.gather [hbm4b:s5+s11], $0x80, s30, s11, $0xb8;
	[tilespmem:$0xC600] =	vst v63  }
0x26: {  	s30 =	sadd.s32 $0x80, s0  }
0x27: {  	[tilespmem:s16], [sflag:$0x1] =	stream.indirect.gather [hbm4b:s5+s11], $0x80, s30, s11, $0xb8;
	[tilespmem:$0xC600] =	vst v63  }
0x28: {  	s30 =	sadd.s32 $0xA0, s0  }
0x29: {  	[tilespmem:s17], [sflag:$0x1] =	stream.indirect.gather [hbm4b:s5+s11], $0x80, s30, s11, $0xb8;
	[tilespmem:$0xC600] =	vst v63  }
0x2a: {  	s30 =	sadd.s32 $0xC0, s0  }
0x2b: {  	[tilespmem:s18], [sflag:$0x1] =	stream.indirect.gather [hbm4b:s5+s11], $0x80, s30, s11, $0xb8;
	[tilespmem:$0xC600] =	vst v63  }
0x2c: {  	s30 =	sadd.s32 $0xE0, s0  }
0x2d: {  	[tilespmem:s19], [sflag:$0x1] =	stream.indirect.gather [hbm4b:s5+s11], $0x80, s30, s11, $0xb8;
	[tilespmem:$0xC600] =	vst v63  }
0x2e: {  	s30 =	sadd.s32 $0x100, s0  }
0x2f: {  	[tilespmem:s20], [sflag:$0x1] =	stream.indirect.gather [hbm4b:s5+s11], $0x80, s30, s11, $0xb8;
	[tilespmem:$0xC600] =	vst v63  }
0x30: {  	s30 =	sadd.s32 $0x120, s0  }
0x31: {  	[tilespmem:s21], [sflag:$0x1] =	stream.indirect.gather [hbm4b:s5+s11], $0x80, s30, s11, $0xb8;
	[tilespmem:$0xC600] =	vst v63  }
0x32: {  	s0 =	sadd.s32 $0x140, s0  }
0x33: {  	[tilespmem:s22], [sflag:$0x1] =	stream.indirect.gather [hbm4b:s5+s11], $0x80, s0, s11, $0xb8;
	[tilespmem:$0xC600] =	vst v63  }
0x34: {  	_ =	swait.ge [sflag:s23], $0x1000  }
0x35: {  	[sflag:s23] =	ssyncset.done $0x0  }
0x36: {  	[sflag:s23] =	ssyncadd.s32 $0xFFFFF000  }
0x37: {  	_ =	swait.ge [sflag:s23], $0x1000  }
0x38: {  	[sflag:s23] =	ssyncset.done $0x0  }
0x39: {  	[sflag:s23] =	ssyncadd.s32 $0xFFFFF000  }
0x3a: {  	_ =	swait.ge [sflag:s23], $0x1000  }
0x3b: {  	[sflag:s23] =	ssyncset.done $0x0  }
0x3c: {  	[sflag:s23] =	ssyncadd.s32 $0xFFFFF000  }
0x3d: {  	_ =	swait.ge [sflag:s23], $0x1000  }
0x3e: {  	[sflag:s23] =	ssyncset.done $0x0  }
0x3f: {  	[sflag:s23] =	ssyncadd.s32 $0xFFFFF000  }
0x40: {  	_ =	swait.ge [sflag:s23], $0x1000  }
0x41: {  	[sflag:s23] =	ssyncset.done $0x0  }
0x42: {  	[sflag:s23] =	ssyncadd.s32 $0xFFFFF000  }
0x43: {  	_ =	swait.ge [sflag:s23], $0x1000  }
0x44: {  	[sflag:s23] =	ssyncset.done $0x0  }
0x45: {  	[sflag:s23] =	ssyncadd.s32 $0xFFFFF000  }
0x46: {  	_ =	swait.ge [sflag:s23], $0x1000  }
0x47: {  	[sflag:s23] =	ssyncset.done $0x0  }
0x48: {  	[sflag:s23] =	ssyncadd.s32 $0xFFFFF000  }
0x49: {  	_ =	swait.ge [sflag:s23], $0x1000  }
0x4a: {  	[sflag:s23] =	ssyncset.done $0x0  }
0x4b: {  	[sflag:s23] =	ssyncadd.s32 $0xFFFFF000  }
0x4c: {  	_ =	swait.ge [sflag:s23], $0x1000  }
0x4d: {  	[sflag:s23] =	ssyncset.done $0x0  }
0x4e: {  	[sflag:s23] =	ssyncadd.s32 $0xFFFFF000  }
0x4f: {  	_ =	swait.ge [sflag:s23], $0x1000  }
0x50: {  	[sflag:s23] =	ssyncset.done $0x0  }
0x51: {  	[sflag:s23] =	ssyncadd.s32 $0xFFFFF000  }
0x52: {  	_ =	swait.ge [sflag:s23], $0x1000  }
0x53: {  	[sflag:s23] =	ssyncset.done $0x0  }
0x54: {  	s30 =	simm.s32 $0x0;
	[sflag:s23] =	ssyncadd.s32 $0xFFFFF000  }
0x55: {  	v0 =	vld [tilespmem:s30+$0x5F0]  }
0x56: {  	v1 =	vld [tilespmem:s30+$0x15F0]  }
0x57: {  	v2 =	vld [tilespmem:s30+$0x580]  }
0x58: {  	v3 =	vld [tilespmem:s30+$0x25F0]  }
0x59: {  	v4 =	vld [tilespmem:s30+$0x1580]  }
0x5a: {  	v5 =	vld [tilespmem:s30+$0x35F0]  }
0x5b: {  	v6 =	vld [tilespmem:s30+$0x590]  }
0x5c: {  	v7 =	vld [tilespmem:s30+$0x1590]  }
0x5d: {  	v8 =	vld [tilespmem:s30+$0x5A0]  }
0x5e: {  	v9 =	vld [tilespmem:s30+$0x15A0]  }
0x5f: {  	v10 =	vld [tilespmem:s30+$0x5B0]  }
0x60: {  	v11 =	vld [tilespmem:s30+$0x15B0]  }
0x61: {  	v12 =	vld [tilespmem:s30+$0x5C0]  }
0x62: {  	v13 =	vld [tilespmem:s30+$0x15C0]  }
0x63: {  	v14 =	vld [tilespmem:s30+$0x15D0]  }
0x64: {  	v15 =	vld [tilespmem:s30+$0x15E0]  }
0x65: {  	v16 =	vld [tilespmem:s30+$0x2590]  }
0x66: {  	v17 =	vld [tilespmem:s30+$0x25B0]  }
0x67: {  	v18 =	vld [tilespmem:s30+$0x25C0]  }
0x68: {  	v19 =	vld [tilespmem:s30+$0x25D0]  }
0x69: {  	v20 =	vld [tilespmem:s30+$0x25E0]  }
0x6a: {  	v21 =	vld [tilespmem:s30+$0x3580]  }
0x6b: {  	v22 =	vld [tilespmem:s30+$0x3590]  }
0x6c: {  	v23 =	vld [tilespmem:s30+$0x35A0]  }
0x6d: {  	v24 =	vld [tilespmem:s30+$0x35B0]  }
0x6e: {  	v25 =	vld [tilespmem:s30+$0x35C0]  }
0x6f: {  	v26 =	vld [tilespmem:s30+$0x35D0]  }
0x70: {  	v27 =	vld [tilespmem:s30+$0x35E0]  }
0x71: {  	v28 =	vld [tilespmem:s30+$0x4580]  }
0x72: {  	v29 =	vld [tilespmem:s30+$0x4590]  }
0x73: {  	v30 =	vld [tilespmem:s30+$0x45A0]  }
0x74: {  	v31 =	vld [tilespmem:s30+$0x45B0]  }
0x75: {  	v32 =	vld [tilespmem:s30+$0x45C0]  }
0x76: {  	v33 =	vld [tilespmem:s30+$0x45D0]  }
0x77: {  	v34 =	vld [tilespmem:s30+$0x45E0]  }
0x78: {  	v35 =	vld [tilespmem:s30+$0x5580]  }
0x79: {  	v36 =	vld [tilespmem:s30+$0x5590]  }
0x7a: {  	v37 =	vld [tilespmem:s30+$0x55A0]  }
0x7b: {  	v38 =	vld [tilespmem:s30+$0x55B0]  }
0x7c: {  	v39 =	vld [tilespmem:s30+$0x55C0]  }
0x7d: {  	v40 =	vld [tilespmem:s30+$0x55D0]  }
0x7e: {  	v41 =	vld [tilespmem:s30+$0x55E0]  }
0x7f: {  	v42 =	vld [tilespmem:s30+$0x6580]  }
0x80: {  	v43 =	vld [tilespmem:s30+$0x6590]  }
0x81: {  	v44 =	vld [tilespmem:s30+$0x65A0];
	v0 =	vadd.f32 v1, v0  }
0x82: {  	v1 =	vld [tilespmem:s30+$0x45F0]  }
0x83: {  	v45 =	vld [tilespmem:s30+$0x65B0];
	v0 =	vadd.f32 v3, v0  }
0x84: {  	v3 =	vld [tilespmem:s30+$0x55F0]  }
0x85: {  	v60 =	vld [tilespmem:s30+$0x75A0];
	v0 =	vadd.f32 v5, v0  }
0x86: {  	v5 =	vld [tilespmem:s30+$0x65F0]  }
0x87: {  	v61 =	vld [tilespmem:s30+$0x75B0];
	v0 =	vadd.f32 v1, v0  }
0x88: {  	v1 =	vld [tilespmem:s30+$0x75F0]  }
0x89: {  	v62 =	vld [tilespmem:s30+$0x75C0];
	v0 =	vadd.f32 v3, v0  }
0x8a: {  	v2 =	vadd.f32 v4, v2;
	v4 =	vadd.f32 v7, v6;
	v3 =	vld [tilespmem:s30+$0x85F0]  }
0x8b: {  	v63 =	vld [tilespmem:s30+$0x75D0];
	v7 =	vadd.f32 v9, v8;
	v0 =	vadd.f32 v5, v0  }
0x8c: {  	v8 =	vadd.f32 v11, v10;
	v10 =	vadd.f32 v13, v12;
	v5 =	vld [tilespmem:s30+$0x95F0]  }
0x8d: {  	v46 =	vld [tilespmem:s30+$0x75E0];
	v4 =	vadd.f32 v16, v4;
	v0 =	vadd.f32 v1, v0  }
0x8e: {  	v8 =	vadd.f32 v17, v8;
	v10 =	vadd.f32 v18, v10;
	v1 =	vld [tilespmem:s30+$0xA5F0]  }
0x8f: {  	v47 =	vld [tilespmem:s30+$0x8580];
	v4 =	vadd.f32 v22, v4;
	v0 =	vadd.f32 v3, v0  }
0x90: {  	v6 =	vld [tilespmem:s30+$0x65C0];
	v8 =	vadd.f32 v24, v8;
	v10 =	vadd.f32 v25, v10  }
0x91: {  	v4 =	vadd.f32 v29, v4;
	v3 =	vld [tilespmem:s30+$0x5D0];
	v0 =	vadd.f32 v5, v0  }
0x92: {  	v8 =	vadd.f32 v31, v8;
	v10 =	vadd.f32 v32, v10;
	v5 =	vld [tilespmem:s30+$0x5E0]  }
0x93: {  	v48 =	vld [tilespmem:s30+$0x8590];
	v4 =	vadd.f32 v36, v4;
	v0 =	vadd.f32 v1, v0  }
0x94: {  	v10 =	vadd.f32 v39, v10;
	v1 =	vld [tilespmem:s30+$0x2580]  }
0x95: {  	v8 =	vadd.f32 v38, v8;
	v4 =	vadd.f32 v43, v4;
	[tilespmem:s30+$0xB5F0] =	vst v0;
	v0 =	vld [tilespmem:s30+$0x25A0]  }
0x96: {  	v49 =	vld [tilespmem:s30+$0x85A0];
	v6 =	vadd.f32 v6, v10;
	v3 =	vadd.f32 v14, v3  }
0x97: {  	v50 =	vld [tilespmem:s30+$0x85B0];
	v8 =	vadd.f32 v45, v8;
	v5 =	vadd.f32 v15, v5  }
0x98: {  	v51 =	vld [tilespmem:s30+$0x85C0];
	v6 =	vadd.f32 v62, v6;
	v3 =	vadd.f32 v19, v3  }
0x99: {  	v52 =	vld [tilespmem:s30+$0x85D0];
	v1 =	vadd.f32 v1, v2;
	v5 =	vadd.f32 v20, v5  }
0x9a: {  	v53 =	vld [tilespmem:s30+$0x85E0];
	v3 =	vadd.f32 v26, v3;
	v0 =	vadd.f32 v0, v7  }
0x9b: {  	v9 =	vld [tilespmem:s30+$0x65D0];
	v1 =	vadd.f32 v21, v1;
	v5 =	vadd.f32 v27, v5  }
0x9c: {  	v11 =	vld [tilespmem:s30+$0x65E0];
	v3 =	vadd.f32 v33, v3;
	v0 =	vadd.f32 v23, v0  }
0x9d: {  	v2 =	vld [tilespmem:s30+$0x7580];
	v1 =	vadd.f32 v28, v1;
	v5 =	vadd.f32 v34, v5  }
0x9e: {  	v7 =	vld [tilespmem:s30+$0x7590];
	v3 =	vadd.f32 v40, v3;
	v0 =	vadd.f32 v30, v0  }
0x9f: {  	v54 =	vld [tilespmem:s30+$0x9580];
	v1 =	vadd.f32 v35, v1;
	v5 =	vadd.f32 v41, v5  }
0xa0: {  	v55 =	vld [tilespmem:s30+$0x9590];
	v3 =	vadd.f32 v9, v3;
	v0 =	vadd.f32 v37, v0  }
0xa1: {  	v56 =	vld [tilespmem:s30+$0x95D0];
	v1 =	vadd.f32 v42, v1;
	v5 =	vadd.f32 v11, v5  }
0xa2: {  	v57 =	vld [tilespmem:s30+$0x95E0];
	v3 =	vadd.f32 v63, v3;
	v0 =	vadd.f32 v44, v0  }
0xa3: {  	v58 =	vld [tilespmem:s30+$0xA590];
	v1 =	vadd.f32 v2, v1;
	v2 =	vadd.f32 v7, v4  }
0xa4: {  	v10 =	vld [tilespmem:s30+$0x95A0];
	v4 =	vadd.f32 v61, v8;
	v5 =	vadd.f32 v46, v5  }
0xa5: {  	v11 =	vld [tilespmem:s30+$0x95C0];
	v3 =	vadd.f32 v52, v3;
	v0 =	vadd.f32 v60, v0  }
0xa6: {  	v8 =	vld [tilespmem:s30+$0xA580];
	v1 =	vadd.f32 v47, v1;
	v2 =	vadd.f32 v48, v2  }
0xa7: {  	v9 =	vld [tilespmem:s30+$0x95B0];
	v59 =	vadd.f32 v50, v4;
	v60 =	vadd.f32 v51, v6  }
0xa8: {  	v61 =	vld [tilespmem:s30+$0xA5A0];
	v62 =	vadd.f32 v53, v5;
	v3 =	vadd.f32 v56, v3  }
0xa9: {  	v7 =	vld [tilespmem:s30+$0xA5B0];
	v0 =	vadd.f32 v49, v0;
	v1 =	vadd.f32 v54, v1  }
0xaa: {  	v4 =	vld [tilespmem:s30+$0xA5C0];
	v63 =	vadd.f32 v55, v2;
	v2 =	vadd.f32 v11, v60  }
0xab: {  	v5 =	vld [tilespmem:s30+$0xA5D0];
	v10 =	vadd.f32 v10, v0;
	v11 =	vadd.f32 v8, v1  }
0xac: {  	s0 =	simm.s32 $0x80;
	v6 =	vadd.f32 v9, v59;
	v8 =	vld [tilespmem:s30+$0xA5E0];
	v9 =	vadd.f32 v58, v63  }
0xad: {  	s31 =	simm.s32 $0x400;
	v0 =	vadd.f32 v57, v62;
	v1 =	vld [tilespmem:s0+$0x5F0];
	[tilespmem:s30+$0xB580] =	vst v11;
	v10 =	vadd.f32 v61, v10  }
.LBB2_4:
0xae: {  	p0 =	sne.s32 s31, $0x3E00;
	v11 =	vld [tilespmem:s0+$0x15F0];
	[tilespmem:s30+$0xB590] =	vst v9;
	v6 =	vadd.f32 v7, v6  }
0xaf: {  	v7 =	vld [tilespmem:s0+$0x580];
	[tilespmem:s30+$0xB5A0] =	vst v10;
	v2 =	vadd.f32 v4, v2  }
0xb0: {  	v4 =	vld [tilespmem:s0+$0x25F0];
	[tilespmem:s30+$0xB5B0] =	vst v6;
	v3 =	vadd.f32 v5, v3  }
0xb1: {  	v5 =	vld [tilespmem:s0+$0x1580];
	[tilespmem:s30+$0xB5C0] =	vst v2;
	v0 =	vadd.f32 v8, v0  }
0xb2: {  	v2 =	vld [tilespmem:s0+$0x35F0];
	[tilespmem:s30+$0xB5D0] =	vst v3  }
0xb3: {  	v3 =	vld [tilespmem:s0+$0x590];
	v1 =	vadd.f32 v11, v1;
	[tilespmem:s30+$0xB5E0] =	vst v0;
	s30 =	smov.u32 s0  }
0xb4: {  	v0 =	vld [tilespmem:s30+$0x45F0]  }
0xb5: {  	v6 =	vld [tilespmem:s30+$0x1590];
	v1 =	vadd.f32 v4, v1  }
0xb6: {  	v4 =	vadd.f32 v5, v7;
	v5 =	vld [tilespmem:s30+$0x55F0]  }
0xb7: {  	v7 =	vld [tilespmem:s30+$0x5A0];
	v1 =	vadd.f32 v2, v1  }
0xb8: {  	v2 =	vld [tilespmem:s30+$0x65F0]  }
0xb9: {  	v8 =	vld [tilespmem:s30+$0x15A0];
	v0 =	vadd.f32 v0, v1  }
0xba: {  	v1 =	vadd.f32 v6, v3;
	v3 =	vld [tilespmem:s30+$0x75F0]  }
0xbb: {  	v6 =	vld [tilespmem:s30+$0x5B0];
	v0 =	vadd.f32 v5, v0  }
0xbc: {  	v5 =	vld [tilespmem:s30+$0x85F0]  }
0xbd: {  	v9 =	vld [tilespmem:s30+$0x15B0];
	v0 =	vadd.f32 v2, v0  }
0xbe: {  	v2 =	vadd.f32 v8, v7;
	v7 =	vld [tilespmem:s30+$0x95F0]  }
0xbf: {  	v8 =	vld [tilespmem:s30+$0x5C0];
	v0 =	vadd.f32 v3, v0  }
0xc0: {  	v3 =	vld [tilespmem:s30+$0xA5F0]  }
0xc1: {  	v10 =	vld [tilespmem:s30+$0x15C0];
	v0 =	vadd.f32 v5, v0  }
0xc2: {  	v5 =	vadd.f32 v9, v6;
	v6 =	vld [tilespmem:s30+$0x5D0]  }
0xc3: {  	v9 =	vld [tilespmem:s30+$0x15D0];
	v0 =	vadd.f32 v7, v0  }
0xc4: {  	v7 =	vld [tilespmem:s30+$0x5E0]  }
0xc5: {  	v11 =	vld [tilespmem:s30+$0x15E0];
	v0 =	vadd.f32 v3, v0  }
0xc6: {  	v3 =	vld [tilespmem:s30+$0x2580];
	v8 =	vadd.f32 v10, v8  }
0xc7: {  	v10 =	vld [tilespmem:s30+$0x2590];
	[tilespmem:s30+$0xB5F0] =	vst v0  }
0xc8: {  	v0 =	vld [tilespmem:s30+$0x25A0];
	v6 =	vadd.f32 v9, v6  }
0xc9: {  	v9 =	vld [tilespmem:s30+$0x25B0]  }
0xca: {  	v12 =	vld [tilespmem:s30+$0x25C0];
	v7 =	vadd.f32 v11, v7  }
0xcb: {  	v3 =	vadd.f32 v3, v4;
	v4 =	vld [tilespmem:s30+$0x25D0]  }
0xcc: {  	v1 =	vadd.f32 v10, v1;
	v10 =	vld [tilespmem:s30+$0x25E0]  }
0xcd: {  	v11 =	vld [tilespmem:s30+$0x3580];
	v0 =	vadd.f32 v0, v2  }
0xce: {  	v2 =	vld [tilespmem:s30+$0x3590];
	v5 =	vadd.f32 v9, v5  }
0xcf: {  	v9 =	vld [tilespmem:s30+$0x35A0];
	v8 =	vadd.f32 v12, v8  }
0xd0: {  	v12 =	vld [tilespmem:s30+$0x35B0];
	v4 =	vadd.f32 v4, v6  }
0xd1: {  	v6 =	vld [tilespmem:s30+$0x35C0];
	v7 =	vadd.f32 v10, v7  }
0xd2: {  	v3 =	vadd.f32 v11, v3;
	v10 =	vld [tilespmem:s30+$0x35D0]  }
0xd3: {  	v1 =	vadd.f32 v2, v1;
	v2 =	vld [tilespmem:s30+$0x35E0]  }
0xd4: {  	v11 =	vld [tilespmem:s30+$0x4580];
	v0 =	vadd.f32 v9, v0  }
0xd5: {  	v9 =	vld [tilespmem:s30+$0x4590];
	v5 =	vadd.f32 v12, v5  }
0xd6: {  	v12 =	vld [tilespmem:s30+$0x45A0];
	v6 =	vadd.f32 v6, v8  }
0xd7: {  	v8 =	vld [tilespmem:s30+$0x45B0];
	v4 =	vadd.f32 v10, v4  }
0xd8: {  	v10 =	vld [tilespmem:s30+$0x45C0];
	v2 =	vadd.f32 v2, v7  }
0xd9: {  	v3 =	vadd.f32 v11, v3;
	v7 =	vld [tilespmem:s30+$0x45D0]  }
0xda: {  	v1 =	vadd.f32 v9, v1;
	v9 =	vld [tilespmem:s30+$0x45E0]  }
0xdb: {  	v11 =	vld [tilespmem:s30+$0x5580];
	v0 =	vadd.f32 v12, v0  }
0xdc: {  	v12 =	vld [tilespmem:s30+$0x5590];
	v5 =	vadd.f32 v8, v5  }
0xdd: {  	v8 =	vld [tilespmem:s30+$0x55A0];
	v6 =	vadd.f32 v10, v6  }
0xde: {  	v10 =	vld [tilespmem:s30+$0x55B0];
	v4 =	vadd.f32 v7, v4  }
0xdf: {  	v7 =	vld [tilespmem:s30+$0x55C0];
	v2 =	vadd.f32 v9, v2  }
0xe0: {  	v3 =	vadd.f32 v11, v3;
	v9 =	vld [tilespmem:s30+$0x55D0]  }
0xe1: {  	v1 =	vadd.f32 v12, v1;
	v11 =	vld [tilespmem:s30+$0x55E0]  }
0xe2: {  	v12 =	vld [tilespmem:s30+$0x6580];
	v0 =	vadd.f32 v8, v0  }
0xe3: {  	v8 =	vld [tilespmem:s30+$0x6590];
	v5 =	vadd.f32 v10, v5  }
0xe4: {  	v10 =	vld [tilespmem:s30+$0x65A0];
	v6 =	vadd.f32 v7, v6  }
0xe5: {  	v7 =	vld [tilespmem:s30+$0x65B0];
	v4 =	vadd.f32 v9, v4  }
0xe6: {  	v9 =	vld [tilespmem:s30+$0x65C0];
	v2 =	vadd.f32 v11, v2  }
0xe7: {  	v3 =	vadd.f32 v12, v3;
	v11 =	vld [tilespmem:s30+$0x65D0]  }
0xe8: {  	v1 =	vadd.f32 v8, v1;
	v8 =	vld [tilespmem:s30+$0x65E0]  }
0xe9: {  	v12 =	vld [tilespmem:s30+$0x7580];
	v0 =	vadd.f32 v10, v0  }
0xea: {  	v10 =	vld [tilespmem:s30+$0x7590];
	v5 =	vadd.f32 v7, v5  }
0xeb: {  	v7 =	vld [tilespmem:s30+$0x75A0];
	v6 =	vadd.f32 v9, v6  }
0xec: {  	v9 =	vld [tilespmem:s30+$0x75B0];
	v4 =	vadd.f32 v11, v4  }
0xed: {  	v11 =	vld [tilespmem:s30+$0x75C0];
	v2 =	vadd.f32 v8, v2  }
0xee: {  	v3 =	vadd.f32 v12, v3;
	v8 =	vld [tilespmem:s30+$0x75D0]  }
0xef: {  	v1 =	vadd.f32 v10, v1;
	v10 =	vld [tilespmem:s30+$0x75E0]  }
0xf0: {  	v12 =	vld [tilespmem:s30+$0x8580];
	v0 =	vadd.f32 v7, v0  }
0xf1: {  	v7 =	vld [tilespmem:s30+$0x8590];
	v5 =	vadd.f32 v9, v5  }
0xf2: {  	v9 =	vld [tilespmem:s30+$0x85A0];
	v6 =	vadd.f32 v11, v6  }
0xf3: {  	v11 =	vld [tilespmem:s30+$0x85B0];
	v4 =	vadd.f32 v8, v4  }
0xf4: {  	v8 =	vld [tilespmem:s30+$0x85C0];
	v2 =	vadd.f32 v10, v2  }
0xf5: {  	v3 =	vadd.f32 v12, v3;
	v10 =	vld [tilespmem:s30+$0x85D0]  }
0xf6: {  	v1 =	vadd.f32 v7, v1;
	v7 =	vld [tilespmem:s30+$0x85E0]  }
0xf7: {  	v12 =	vld [tilespmem:s30+$0x9580];
	v0 =	vadd.f32 v9, v0  }
0xf8: {  	v9 =	vld [tilespmem:s30+$0x9590];
	v5 =	vadd.f32 v11, v5  }
0xf9: {  	v11 =	vld [tilespmem:s30+$0x95A0];
	v8 =	vadd.f32 v8, v6  }
0xfa: {  	v6 =	vld [tilespmem:s30+$0x95B0];
	v4 =	vadd.f32 v10, v4  }
0xfb: {  	v10 =	vld [tilespmem:s30+$0x95C0];
	v13 =	vadd.f32 v7, v2  }
0xfc: {  	v12 =	vadd.f32 v12, v3;
	v3 =	vld [tilespmem:s30+$0x95D0]  }
0xfd: {  	v1 =	vadd.f32 v9, v1;
	v9 =	vld [tilespmem:s30+$0x95E0]  }
0xfe: {  	v14 =	vld [tilespmem:s30+$0xA580];
	v11 =	vadd.f32 v11, v0  }
0xff: {  	v15 =	vld [tilespmem:s30+$0xA590];
	v6 =	vadd.f32 v6, v5  }
0x100: {  	v16 =	vld [tilespmem:s30+$0xA5A0];
	v2 =	vadd.f32 v10, v8  }
.Ltmp0:
0x101: {  	v7 =	vld [tilespmem:s30+$0xA5B0];
	v3 =	vadd.f32 v3, v4;
	(pc) =	sbr.rel @p0 .LBB2_4-.Ltmp0, $4  }
0x102: {  	v4 =	vld [tilespmem:s30+$0xA5C0];
	v0 =	vadd.f32 v9, v13  }
0x103: {  	v10 =	vadd.f32 v14, v12;
	v5 =	vld [tilespmem:s30+$0xA5D0]  }
0x104: {  	s0 =	sshra.s32 s31, $0x2;
	v9 =	vadd.f32 v15, v1;
	v8 =	vld [tilespmem:s30+$0xA5E0]  }
0x105: {  	s31 =	sadd.s32 $0x200, s31;
	v1 =	vld [tilespmem:s0+$0x5F0];
	[tilespmem:s30+$0xB580] =	vst v10;
	v10 =	vadd.f32 v16, v11  }
0x106: {  	v11 =	vld [tilespmem:s0+$0x15F0];
	[tilespmem:s30+$0xB590] =	vst v9;
	v6 =	vadd.f32 v7, v6  }
0x107: {  	v9 =	vld [tilespmem:s0+$0x580];
	[tilespmem:s30+$0xB5A0] =	vst v10;
	v2 =	vadd.f32 v4, v2  }
0x108: {  	v53 =	vld [tilespmem:s0+$0x25F0];
	[tilespmem:s30+$0xB5B0] =	vst v6;
	v3 =	vadd.f32 v5, v3  }
0x109: {  	v54 =	vld [tilespmem:s0+$0x1580];
	[tilespmem:s30+$0xB5C0] =	vst v2;
	v0 =	vadd.f32 v8, v0  }
0x10a: {  	v2 =	vld [tilespmem:s0+$0x35F0];
	[tilespmem:s30+$0xB5D0] =	vst v3  }
0x10b: {  	v3 =	vld [tilespmem:s0+$0x590];
	[tilespmem:s30+$0xB5E0] =	vst v0  }
0x10c: {  	v56 =	vld [tilespmem:s0+$0x45F0]  }
0x10d: {  	v57 =	vld [tilespmem:s0+$0x1590]  }
0x10e: {  	v6 =	vld [tilespmem:s0+$0x55F0]  }
0x10f: {  	v58 =	vld [tilespmem:s0+$0x5A0]  }
0x110: {  	v59 =	vld [tilespmem:s0+$0x65F0]  }
0x111: {  	v60 =	vld [tilespmem:s0+$0x15A0]  }
0x112: {  	v61 =	vld [tilespmem:s0+$0x75F0]  }
0x113: {  	v10 =	vld [tilespmem:s0+$0x5B0]  }
0x114: {  	v62 =	vld [tilespmem:s0+$0x85F0]  }
0x115: {  	v63 =	vld [tilespmem:s0+$0x15B0]  }
0x116: {  	v46 =	vld [tilespmem:s0+$0x95F0]  }
0x117: {  	v12 =	vld [tilespmem:s0+$0x5C0]  }
0x118: {  	v47 =	vld [tilespmem:s0+$0xA5F0]  }
0x119: {  	v13 =	vld [tilespmem:s0+$0x15C0]  }
0x11a: {  	v48 =	vld [tilespmem:s0+$0x5D0]  }
0x11b: {  	v14 =	vld [tilespmem:s0+$0x15D0]  }
0x11c: {  	v49 =	vld [tilespmem:s0+$0x5E0]  }
0x11d: {  	v15 =	vld [tilespmem:s0+$0x15E0]  }
0x11e: {  	v50 =	vld [tilespmem:s0+$0x2580]  }
0x11f: {  	v16 =	vld [tilespmem:s0+$0x2590]  }
0x120: {  	v51 =	vld [tilespmem:s0+$0x25A0]  }
0x121: {  	v17 =	vld [tilespmem:s0+$0x25B0]  }
0x122: {  	v18 =	vld [tilespmem:s0+$0x25C0]  }
0x123: {  	v19 =	vld [tilespmem:s0+$0x25D0]  }
0x124: {  	v20 =	vld [tilespmem:s0+$0x25E0]  }
0x125: {  	v21 =	vld [tilespmem:s0+$0x3580]  }
0x126: {  	v22 =	vld [tilespmem:s0+$0x3590]  }
0x127: {  	v23 =	vld [tilespmem:s0+$0x35A0]  }
0x128: {  	v24 =	vld [tilespmem:s0+$0x35B0]  }
0x129: {  	v25 =	vld [tilespmem:s0+$0x35C0]  }
0x12a: {  	v26 =	vld [tilespmem:s0+$0x35D0]  }
0x12b: {  	v27 =	vld [tilespmem:s0+$0x35E0]  }
0x12c: {  	v28 =	vld [tilespmem:s0+$0x4580]  }
0x12d: {  	v29 =	vld [tilespmem:s0+$0x4590]  }
0x12e: {  	v30 =	vld [tilespmem:s0+$0x45A0]  }
0x12f: {  	v31 =	vld [tilespmem:s0+$0x45B0]  }
0x130: {  	v32 =	vld [tilespmem:s0+$0x45C0]  }
0x131: {  	v33 =	vld [tilespmem:s0+$0x45D0]  }
0x132: {  	v34 =	vld [tilespmem:s0+$0x45E0]  }
0x133: {  	v35 =	vld [tilespmem:s0+$0x5580]  }
0x134: {  	v36 =	vld [tilespmem:s0+$0x5590]  }
0x135: {  	v55 =	vadd.f32 v11, v1;
	v37 =	vld [tilespmem:s0+$0x55A0]  }
0x136: {  	v38 =	vld [tilespmem:s0+$0x55B0]  }
0x137: {  	v39 =	vld [tilespmem:s0+$0x55C0];
	v0 =	vadd.f32 v53, v55  }
0x138: {  	v40 =	vld [tilespmem:s0+$0x55D0]  }
0x139: {  	v41 =	vld [tilespmem:s0+$0x55E0];
	v0 =	vadd.f32 v2, v0  }
0x13a: {  	v42 =	vld [tilespmem:s0+$0x6580];
	v4 =	vadd.f32 v54, v9  }
0x13b: {  	v43 =	vld [tilespmem:s0+$0x6590];
	v0 =	vadd.f32 v56, v0;
	v3 =	vadd.f32 v57, v3  }
0x13c: {  	v44 =	vld [tilespmem:s0+$0x65A0];
	v7 =	vadd.f32 v60, v58;
	v53 =	vadd.f32 v63, v10  }
0x13d: {  	v45 =	vld [tilespmem:s0+$0x65B0];
	v55 =	vadd.f32 v13, v12;
	v2 =	vadd.f32 v15, v49  }
0x13e: {  	v52 =	vld [tilespmem:s0+$0x65C0];
	v1 =	vadd.f32 v50, v4;
	v0 =	vadd.f32 v6, v0  }
0x13f: {  	v54 =	vld [tilespmem:s0+$0x65D0];
	v6 =	vadd.f32 v14, v48;
	v3 =	vadd.f32 v16, v3  }
0x140: {  	v56 =	vld [tilespmem:s0+$0x65E0];
	v8 =	vadd.f32 v17, v53;
	v10 =	vadd.f32 v18, v55  }
0x141: {  	v57 =	vld [tilespmem:s0+$0x7580];
	v2 =	vadd.f32 v20, v2;
	v1 =	vadd.f32 v21, v1  }
0x142: {  	v58 =	vld [tilespmem:s0+$0x7590];
	v0 =	vadd.f32 v59, v0;
	v6 =	vadd.f32 v19, v6  }
0x143: {  	v60 =	vld [tilespmem:s0+$0x75B0];
	v3 =	vadd.f32 v22, v3;
	v8 =	vadd.f32 v24, v8  }
0x144: {  	v63 =	vld [tilespmem:s0+$0x75E0];
	v10 =	vadd.f32 v25, v10;
	v2 =	vadd.f32 v27, v2  }
0x145: {  	v49 =	vld [tilespmem:s0+$0x95C0];
	v1 =	vadd.f32 v28, v1;
	v0 =	vadd.f32 v61, v0  }
0x146: {  	v48 =	vld [tilespmem:s0+$0x95B0];
	v6 =	vadd.f32 v26, v6;
	v3 =	vadd.f32 v29, v3  }
0x147: {  	v53 =	vld [tilespmem:s0+$0xA580];
	v8 =	vadd.f32 v31, v8;
	v10 =	vadd.f32 v32, v10  }
0x148: {  	v59 =	vld [tilespmem:s0+$0x75A0];
	v2 =	vadd.f32 v34, v2;
	v1 =	vadd.f32 v35, v1  }
0x149: {  	v28 =	vld [tilespmem:s0+$0x8580];
	v0 =	vadd.f32 v62, v0;
	v6 =	vadd.f32 v33, v6  }
0x14a: {  	v61 =	vld [tilespmem:s0+$0x75C0];
	v3 =	vadd.f32 v36, v3;
	v8 =	vadd.f32 v38, v8  }
0x14b: {  	v32 =	vld [tilespmem:s0+$0x85A0];
	v10 =	vadd.f32 v39, v10;
	v2 =	vadd.f32 v41, v2  }
0x14c: {  	v34 =	vld [tilespmem:s0+$0x85B0];
	v1 =	vadd.f32 v42, v1;
	v0 =	vadd.f32 v46, v0  }
0x14d: {  	v62 =	vld [tilespmem:s0+$0x75D0];
	v6 =	vadd.f32 v40, v6;
	v3 =	vadd.f32 v43, v3  }
0x14e: {  	v36 =	vld [tilespmem:s0+$0x85C0];
	v8 =	vadd.f32 v45, v8;
	v5 =	vadd.f32 v52, v10  }
0x14f: {  	v38 =	vld [tilespmem:s0+$0x85D0];
	v2 =	vadd.f32 v56, v2;
	v0 =	vadd.f32 v47, v0  }
0x150: {  	v42 =	vld [tilespmem:s0+$0x9580];
	v1 =	vadd.f32 v57, v1;
	v6 =	vadd.f32 v54, v6  }
0x151: {  	v40 =	vld [tilespmem:s0+$0x85E0];
	v3 =	vadd.f32 v58, v3;
	[tilespmem:s0+$0xB5F0] =	vst v0;
	v0 =	vadd.f32 v51, v7  }
0x152: {  	v46 =	vld [tilespmem:s0+$0x9590];
	v50 =	vadd.f32 v60, v8;
	v5 =	vadd.f32 v61, v5  }
0x153: {  	v52 =	vld [tilespmem:s0+$0x95E0];
	v2 =	vadd.f32 v63, v2;
	v0 =	vadd.f32 v23, v0  }
0x154: {  	v56 =	vld [tilespmem:s0+$0xA5B0];
	v1 =	vadd.f32 v28, v1;
	v6 =	vadd.f32 v62, v6  }
0x155: {  	v57 =	vld [tilespmem:s0+$0xA5C0];
	v7 =	vadd.f32 v34, v50;
	v0 =	vadd.f32 v30, v0  }
0x156: {  	v5 =	vadd.f32 v36, v5;
	v1 =	vadd.f32 v42, v1;
	v30 =	vld [tilespmem:s0+$0x8590]  }
0x157: {  	v51 =	vld [tilespmem:s0+$0x95D0];
	v2 =	vadd.f32 v40, v2;
	v0 =	vadd.f32 v37, v0  }
0x158: {  	v47 =	vld [tilespmem:s0+$0x95A0];
	v6 =	vadd.f32 v38, v6;
	v7 =	vadd.f32 v48, v7  }
0x159: {  	v58 =	vld [tilespmem:s0+$0xA5D0];
	v1 =	vadd.f32 v53, v1;
	v0 =	vadd.f32 v44, v0  }
0x15a: {  	v54 =	vld [tilespmem:s0+$0xA590];
	v4 =	vadd.f32 v49, v5;
	v61 =	vadd.f32 v56, v7  }
0x15b: {  	v3 =	vadd.f32 v30, v3;
	v0 =	vadd.f32 v59, v0;
	v59 =	vld [tilespmem:s0+$0xA5E0]  }
0x15c: {  	v55 =	vld [tilespmem:s0+$0xA5A0];
	v62 =	vadd.f32 v57, v4;
	v60 =	vadd.f32 v51, v6  }
0x15d: {  	[tilespmem:s0+$0xB580] =	vst v1;
	v3 =	vadd.f32 v46, v3;
	v0 =	vadd.f32 v32, v0  }
0x15e: {  	v2 =	vadd.f32 v52, v2;
	[tilespmem:s0+$0xB5B0] =	vst v61;
	v1 =	vadd.f32 v58, v60  }
0x15f: {  	[tilespmem:s0+$0xB5C0] =	vst v62;
	v3 =	vadd.f32 v54, v3;
	v0 =	vadd.f32 v47, v0  }
0x160: {  	s31 =	sshll.u32 s28, $0xC;
	[tilespmem:s0+$0xB5D0] =	vst v1;
	v63 =	vadd.f32 v59, v2  }
0x161: {  	s28 =	sadd.s32 $0x1, s28;
	s30 =	sadd.s32 s31, s29;
	[tilespmem:s0+$0xB590] =	vst v3;
	v0 =	vadd.f32 v55, v0  }
0x162: {  	p0 =	sne.s32 s28, $0x4;
	s30 =	sshrl.u32 s30, $0x3;
	[tilespmem:s0+$0xB5E0] =	vst v63  }
.Ltmp1:
0x163: {  	s31 =	sadd.s32 s2, s30;
	[tilespmem:s0+$0xB5A0] =	vst v0;
	(pc) =	sbr.rel @p0 .LBB2_3-.Ltmp1, $4  }
0x164: {  	[hbm4b:s31+s3] =	stream.linear.scatter [tilespmem:s24], [sflag:$0x2], $0x1000, $0x38;
	[tilespmem:$0xC600] =	vst v63  }
0x165: {  	_ =	swait.ge [sflag:s10], $0x1000  }
0x166: {  	[sflag:s10] =	ssyncset.done $0x0  }
0x167: {  	[sflag:s10] =	ssyncadd.s32 $0xFFFFF000  }
0x168: {  	s26 =	sadd.s32 $0x1, s26  }
0x169: {  	p0 =	sne.s32 s26, $0x8  }
.Ltmp2:
0x16a: {  	_ = 	snop;
	(pc) =	sbr.rel @p0 .LBB2_2-.Ltmp2, $1  }
0x16b: {  	_ =	sdelay $0x3  }
0x16c: {  	s25 =	sadd.s32 $0x1, s25  }
0x16d: {  	p0 =	sne.s32 s25, s8  }
.Ltmp3:
0x16e: {  	_ = 	snop;
	(pc) =	sbr.rel @p0 .LBB2_1-.Ltmp3, $1  }
0x16f: {  	_ =	sdelay $0x3  }
0x170: {  	_ =	sfence.sel $0x180000  }
0x171: {  	[bflag:$0x0] =	sbarrier.arrive $0xFFFF  }
0x172: {  	_ =	strace $0x90000047  }
0x173: {  	[bflag:$0x2] =	sbarrier.arrive $0xFFFF  }
0x174: {  	p0 =	sne.s32 s4, $0x0;
	s0 =	rddreg [dreg:$0x3]  }
0x175: {  	s0 =	sadd.s32 @!p0 $0x100000, s0  }
0x176: {  	[sflag:s0] =	ssyncadd.tile.s32 @!p0 $0x1;
	_ =	shalt  }
.Lfunc_end2:
_tile_overlayer_lowered:
.L_overlay_start_2:
0x177: {  	(tag) =	ssettag $0x2  }
0x178: {  	s0 =	rddreg [dreg:$0x0];
	s2 =	stileid.u32  }
0x179: {  	s1 =	rddreg [dreg:$0x1];
	p0 =	sne.s32 s2, $0x0  }
0x17a: {  	s3 =	rddreg [dreg:$0x2];
	[bflag:$0x3] =	sbarrier.arrive $0xFFFF;
	s2 =	simm.s32 @!p0 $0x1C02  }
0x17b: {  	[timem:s3], [sflag:s2] =	dma.local @!p0 [hbm:s0], s1  }
0x17c: {  	s0 =	simm.s32 @!p0 $0x2  }
0x17d: {  	_ =	swait.ge @!p0 [sflag:s0], s1  }
0x17e: {  	s1 =	ssub.s32 @!p0 $0x0, s1;
	[sflag:s0] =	ssyncset.done @!p0 $0x0  }
0x17f: {  	[sflag:s0] =	ssyncadd.s32 @!p0 s1  }
0x180: {  	[bflag:$0x3] =	sbarrier.arrive $0xFFFF  }
0x181: {  	_ =	shalt  }

</sc_bundles>
